<compile_context>
chip_gen: v7x
topology: tpu7x:2x2x1
jax: 0.10.2.dev20260603
libtpu: 0.0.44.dev20260713+nightly
codegen_flags: <defaults>
</compile_context>

<pallas_src>
import functools

import jax
import jax.numpy as jnp
from jax import lax
from jax.experimental import pallas as pl
from jax.experimental.pallas import tpu as pltpu
from jax.experimental.pallas import tpu_sc as plsc

TEMPERATURE = 0.1
N_NEG = 10
EPS = 1e-8

B, D, H, W = 8, 512, 8, 128
T = H * W
R = B * T
NS = T // 128
NSEG = NS // 2
LANES = 16
GPR = 128 // LANES
NW = 32
TOK_W = R // NW
NEG_W = TOK_W * N_NEG
CH = 64
NCH = TOK_W // CH
IDX_ROWS = TOK_W * LANES // 128
PACKED_ROWS = R * LANES // 128
NEG_INF = float("-inf")


def _gram_body(o_ref, p_ref, out_ref):
    o = o_ref[0]
    p = p_ref[0]
    no = jnp.maximum(jnp.sqrt(jnp.sum(o * o, axis=0, keepdims=True)), EPS)
    on = ((o * ((1.0 / TEMPERATURE) / no)).astype(jnp.bfloat16)).T
    npv = jnp.maximum(jnp.sqrt(jnp.sum(p * p, axis=0, keepdims=True)), EPS)
    pn = (p * (1.0 / npv)).astype(jnp.bfloat16)
    d = lax.dot_general(on, pn, (((1,), (0,)), ((), ())),
                        preferred_element_type=jnp.float32)
    for cs2 in range(NSEG):
        lo16 = lax.convert_element_type(
            lax.bitcast_convert_type(
                d[:, cs2 * 256:cs2 * 256 + 128].astype(jnp.bfloat16),
                jnp.uint16), jnp.int32)
        hi16 = lax.convert_element_type(
            lax.bitcast_convert_type(
                d[:, cs2 * 256 + 128:cs2 * 256 + 256].astype(jnp.bfloat16),
                jnp.uint16), jnp.int32)
        out_ref[pl.ds(cs2 * T, T), :] = lo16 | lax.shift_left(hi16, 16)


def _gram(orig_r, pred_r):
    return pl.pallas_call(
        _gram_body,
        grid=(B,),
        in_specs=[
            pl.BlockSpec((1, D, T), lambda b: (b, 0, 0)),
            pl.BlockSpec((1, D, T), lambda b: (b, 0, 0)),
        ],
        out_specs=pl.BlockSpec((NSEG * T, 128), lambda b: (b, 0)),
        out_shape=jax.ShapeDtypeStruct((B * NSEG * T, 128), jnp.int32),
    )(orig_r, pred_r)


@functools.partial(
    pl.kernel,
    mesh=plsc.VectorSubcoreMesh(core_axis_name="c", subcore_axis_name="s"),
    out_type=jax.ShapeDtypeStruct((PACKED_ROWS, 128), jnp.float32),
    compiler_params=pltpu.CompilerParams(
        use_tc_tiling_on_sc=False, needs_layout_passes=False),
    scratch_types=[
        pltpu.VMEM((NEG_W + LANES,), jnp.int32),
        pltpu.VMEM((NSEG * CH, 128), jnp.int32),
        pltpu.VMEM((NSEG * CH, 128), jnp.int32),
        pltpu.VMEM((IDX_ROWS, 128), jnp.float32),
        pltpu.SemaphoreType.DMA,
        pltpu.SemaphoreType.DMA,
    ],
)
def _sc_gather(table_hbm, neg_hbm, out_hbm, idx_v, rows_a, rows_b, out_v,
               sem_a, sem_b):
    wid = lax.axis_index("s") * 2 + lax.axis_index("c")
    b = wid // (NW // B)
    t0 = (wid % (NW // B)) * TOK_W
    pltpu.sync_copy(neg_hbm.at[pl.ds(wid * NEG_W, NEG_W)],
                    idx_v.at[pl.ds(0, NEG_W)])

    bufs = (rows_a, rows_b)
    sems = (sem_a, sem_b)

    def fire(c):
        buf = bufs[c % 2]
        sem = sems[c % 2]
        return [
            pltpu.async_copy(
                table_hbm.at[pl.ds((b * NSEG + sg) * T + t0 + c * CH, CH)],
                buf.at[pl.ds(sg * CH, CH)], sem)
            for sg in range(NSEG)
        ]

    lane_i = lax.iota(jnp.int32, LANES)
    pending = fire(0)
    for c in range(NCH):
        nxt = fire(c + 1) if c + 1 < NCH else []
        for cp in pending:
            cp.wait()
        pending = nxt
        buf = bufs[c % 2]

        def body(i, carry, c=c, buf=buf):
            k = c * CH + i
            raw = idx_v[pl.ds(k * N_NEG, LANES)]
            neg_col = lax.bitwise_or(
                lax.shift_left(lax.bitwise_and(raw, H - 1), 7),
                lax.shift_right_logical(raw, 3))
            pos = jnp.zeros((LANES,), jnp.int32) + (t0 + k)
            col = jnp.where(lane_i >= N_NEG, pos, neg_col)
            row = lax.shift_right_logical(col, 8) * CH + i
            lane = lax.bitwise_and(col, 127)
            w = plsc.load_gather(buf, [row, lane])
            half = lax.bitwise_and(lax.shift_right_logical(col, 7), 1)
            bits = lax.bitwise_and(
                lax.shift_right_logical(w, half * 16), 0xFFFF)
            val = plsc.bitcast(lax.shift_left(bits, 16), jnp.float32)
            dead = (lane_i > N_NEG) | ((lane_i < N_NEG) & (col == pos))
            val = jnp.where(dead, jnp.float32(NEG_INF), val)
            out_v[k // GPR, pl.ds((k % GPR) * LANES, LANES)] = val
            return carry

        lax.fori_loop(0, CH, body, 0)
    pltpu.sync_copy(out_v, out_hbm.at[pl.ds(wid * IDX_ROWS, IDX_ROWS)])


def _finish_body(vals_ref, out_ref):
    vals = vals_ref[...]
    lane = lax.broadcasted_iota(jnp.int32, (PACKED_ROWS, 128), 1)
    sub = lane % LANES
    e = jnp.exp(vals)
    li = lax.broadcasted_iota(jnp.int32, (128, GPR), 0)
    gi = lax.broadcasted_iota(jnp.int32, (128, GPR), 1)
    sel = (li // LANES == gi).astype(jnp.float32)
    dims = (((1,), (0,)), ((), ()))
    negsum = lax.dot_general(jnp.where(sub < N_NEG, e, 0.0), sel, dims,
                             preferred_element_type=jnp.float32)
    epos = lax.dot_general(jnp.where(sub == N_NEG, e, 0.0), sel, dims,
                           preferred_element_type=jnp.float32)
    pos = lax.dot_general(jnp.where(sub == N_NEG, vals, 0.0), sel, dims,
                          preferred_element_type=jnp.float32)
    lse = jnp.log(epos + negsum)
    out_ref[...] = jnp.sum(lse - pos, keepdims=True) * (1.0 / R)


def _finish(vals_p):
    return pl.pallas_call(
        _finish_body,
        out_shape=jax.ShapeDtypeStruct((1, 1), jnp.float32),
    )(vals_p)


def kernel(pred_tokens, original_tokens):
    ghat = _gram(original_tokens.reshape(B, D, T), pred_tokens.reshape(B, D, T))

    neg_inds = jax.random.randint(
        jax.random.key(42), (R * N_NEG,), 0, T - 1).astype(jnp.int32)

    gathered = _sc_gather(ghat, neg_inds)
    return _finish(gathered).reshape(())

# --- scband reference (transcript-rebuilt; emitter-appended) ---
"""Pipeline reference for scband-contrastive-loss-3032246911050 (READ-ONLY COPY).

The authoritative reference and input builder live on the scoring server;
editing this copy changes nothing except your own understanding.
"""

import jax, jax.numpy as jnp
import numpy as np

TEMPERATURE = 0.1
N_NEG = 10


def setup_inputs(seed: int = 0):
    key = jax.random.key(seed)
    k1, k2 = jax.random.split(key)
    pred_tokens = jax.random.normal(k1, (8, 512, 8, 128), dtype=jnp.float32)
    original_tokens = jax.random.normal(k2, (8, 512, 8, 128), dtype=jnp.float32)
    return {"pred_tokens": pred_tokens, "original_tokens": original_tokens}


def _generate_negatives(orig_tokens, key):
    # orig_tokens: (B, D, H, W); mirrors torch permute([0,3,2,1]).reshape(-1, D)
    B, D, H, W = orig_tokens.shape
    z_k = jnp.transpose(orig_tokens, (0, 3, 2, 1)).reshape(-1, D)
    full_len = H * W
    # torch.randint(0, full_len-1) -> values in [0, full_len-2]; jax maxval exclusive
    neg_inds = jax.random.randint(key, (B, full_len * N_NEG), 0, full_len - 1)
    offsets = jnp.arange(B, dtype=neg_inds.dtype)[:, None] * full_len
    neg_inds = neg_inds + offsets
    z_k = z_k[neg_inds.reshape(-1)].reshape(B, full_len, N_NEG, D)
    return z_k


def _cosine_similarity(a, b, eps=1e-8):
    # torch F.cosine_similarity: dot / (clamp(||a||,eps) * clamp(||b||,eps))
    na = jnp.maximum(jnp.sqrt(jnp.sum(a * a, axis=-1)), eps)
    nb = jnp.maximum(jnp.sqrt(jnp.sum(b * b, axis=-1)), eps)
    return jnp.sum(a * b, axis=-1) / (na * nb)


def _calculate_similarity(unmasked_tokens, contextual_output, negatives):
    ctx = contextual_output[:, :, None, :]
    unm = unmasked_tokens[:, :, None, :]
    negative_in_target = jnp.all(ctx == negatives, axis=-1)  # (B, T, n_neg)
    targets = jnp.concatenate([ctx, negatives], axis=-2)  # (B, T, 1+n_neg, D)
    logits = _cosine_similarity(unm, targets) / TEMPERATURE  # (B, T, 1+n_neg)
    neg_part = jnp.where(negative_in_target, -jnp.inf, logits[:, :, 1:])
    logits = jnp.concatenate([logits[:, :, :1], neg_part], axis=-1)
    return logits.reshape(-1, logits.shape[-1])


def reference(pred_tokens, original_tokens):
    B, D, C, W = pred_tokens.shape
    neg_key = jax.random.key(42)
    negt_tokens = _generate_negatives(pred_tokens, neg_key)
    pred = jnp.transpose(pred_tokens, (0, 2, 3, 1)).reshape(B, -1, D)
    orig = jnp.transpose(original_tokens, (0, 2, 3, 1)).reshape(B, -1, D)
    logits = _calculate_similarity(orig, pred, negt_tokens)
    # CrossEntropyLoss with labels == 0 (mean reduction)
    loss = jnp.mean(jax.nn.logsumexp(logits, axis=-1) - logits[:, 0])
    return loss

if __name__ == "__main__":
    import jax
    _d = setup_inputs()
    print(jax.jit(kernel)(*tuple(_d.values())))

</pallas_src>

<mosaic_0001>
#map = affine_map<(d0, d1) -> (0, 0)>
#map1 = affine_map<(d0, d1) -> (0)>
module attributes {stable_mosaic.version = 14 : i64} {
  func.func @_sc_gather(%arg0: i32, %arg1: i32, %arg2: memref<32768x128xi32, #tpu.memory_space<hbm>>, %arg3: memref<81920xi32, #tpu.memory_space<hbm>>, %arg4: memref<1024x128xf32, #tpu.memory_space<hbm>>, %arg5: memref<2576xi32, #tpu.memory_space<vmem>>, %arg6: memref<256x128xi32, #tpu.memory_space<vmem>>, %arg7: memref<256x128xi32, #tpu.memory_space<vmem>>, %arg8: memref<32x128xf32, #tpu.memory_space<vmem>>, %arg9: memref<!tpu.dma_semaphore, #tpu.memory_space<semaphore_mem>>, %arg10: memref<!tpu.dma_semaphore, #tpu.memory_space<semaphore_mem>>) attributes {dimension_semantics = [#tpu.dimension_semantics<core_parallel>, #tpu.dimension_semantics<subcore_parallel>], iteration_bounds = array<i64: 2, 16>, scalar_prefetch = 0 : i64, scratch_operands = 6 : i64, tpu.core_type = #tpu.core_type<sc_vector_subcore>, window_params = [{transform_indices = #map}, {transform_indices = #map1}, {transform_indices = #map}]} {
    %mul3A = arith.constant 2 : i32
    %mul3A_0 = arith.muli %arg1, %mul3A : i32
    %add3A = arith.addi %mul3A_0, %arg0 : i32
    %jit3A = arith.constant 4 : i32
    %div3A = arith.divsi %add3A, %jit3A : i32
    %sign3A = arith.constant 0 : i32
    %sign3A_1 = arith.cmpi sgt, %add3A, %sign3A : i32
    %sign3A_2 = arith.extui %sign3A_1 : i1 to i32
    %sign3A_3 = arith.constant 0 : i32
    %sign3A_4 = arith.cmpi slt, %add3A, %sign3A_3 : i32
    %sign3A_5 = arith.extui %sign3A_4 : i1 to i32
    %sign3A_6 = arith.subi %sign3A_2, %sign3A_5 : i32
    %sign3A_7 = arith.constant 0 : i32
    %sign3A_8 = arith.cmpi sgt, %jit3A, %sign3A_7 : i32
    %sign3A_9 = arith.extui %sign3A_8 : i1 to i32
    %sign3A_10 = arith.constant 0 : i32
    %sign3A_11 = arith.cmpi slt, %jit3A, %sign3A_10 : i32
    %sign3A_12 = arith.extui %sign3A_11 : i1 to i32
    %sign3A_13 = arith.subi %sign3A_9, %sign3A_12 : i32
    %ne3A = arith.cmpi ne, %sign3A_6, %sign3A_13 : i32
    %rem3A = arith.remsi %add3A, %jit3A : i32
    %ne3A_14 = arith.constant 0 : i32
    %ne3A_15 = arith.cmpi ne, %rem3A, %ne3A_14 : i32
    %and3A = arith.andi %ne3A, %ne3A_15 : i1
    %sub3A = arith.constant 1 : i32
    %sub3A_16 = arith.subi %div3A, %sub3A : i32
    %select_n3A = arith.select %and3A, %sub3A_16, %div3A : i32
    %jit3A_17 = arith.constant 4 : i32
    %eq3A = arith.constant 0 : i32
    %eq3A_18 = arith.cmpi eq, %jit3A_17, %eq3A : i32
    %jit3A_19 = arith.constant 1 : i32
    %select_n3A_20 = arith.select %eq3A_18, %jit3A_19, %jit3A_17 : i32
    %rem3A_21 = arith.remsi %add3A, %select_n3A_20 : i32
    %ne3A_22 = arith.constant 0 : i32
    %ne3A_23 = arith.cmpi ne, %rem3A_21, %ne3A_22 : i32
    %lt3A = arith.constant 0 : i32
    %lt3A_24 = arith.cmpi slt, %rem3A_21, %lt3A : i32
    %lt3A_25 = arith.constant 0 : i32
    %lt3A_26 = arith.cmpi slt, %select_n3A_20, %lt3A_25 : i32
    %ne3A_27 = arith.xori %lt3A_24, %lt3A_26 : i1
    %and3A_28 = arith.andi %ne3A_27, %ne3A_23 : i1
    %add3A_29 = arith.addi %rem3A_21, %select_n3A_20 : i32
    %select_n3A_30 = arith.select %and3A_28, %add3A_29, %rem3A_21 : i32
    %mul3A_31 = arith.constant 256 : i32
    %mul3A_32 = arith.muli %select_n3A_30, %mul3A_31 : i32
    %mul3A_33 = arith.constant 2560 : i32
    %mul3A_34 = arith.muli %add3A, %mul3A_33 : i32
    "tpu.region"() ({
      %run_scoped3A = tpu.sem_alloc : memref<!tpu.dma_semaphore, #tpu.memory_space<semaphore_mem>>
      %dma_start3A_522 = arith.constant 0 : i32
      %dma_start3A_523 = tpu.memref_slice %arg5[%dma_start3A_522] : memref<2576xi32, #tpu.memory_space<vmem>> -> memref<2560xi32, #tpu.memory_space<vmem>>
      %dma_start3A_524 = tpu.memref_slice %arg3[%mul3A_34] : memref<81920xi32, #tpu.memory_space<hbm>> -> memref<2560xi32, #tpu.memory_space<hbm>>
      %dma_start3A_525 = arith.constant 0 : i32
      %dma_start3A_526 = tpu.memref_slice %arg5[%dma_start3A_525] : memref<2576xi32, #tpu.memory_space<vmem>> -> memref<2560xi32, #tpu.memory_space<vmem>>
      %dma_start3A_527 = tpu.memref_slice %arg3[%mul3A_34] : memref<81920xi32, #tpu.memory_space<hbm>> -> memref<2560xi32, #tpu.memory_space<hbm>>
      tpu.enqueue_dma source(%dma_start3A_527 : memref<2560xi32, #tpu.memory_space<hbm>>) target(%dma_start3A_526 : memref<2560xi32, #tpu.memory_space<vmem>>) target_semaphore(%run_scoped3A : memref<!tpu.dma_semaphore, #tpu.memory_space<semaphore_mem>>)
      %dma_wait3A_528 = arith.constant 0 : i32
      %dma_wait3A_529 = tpu.memref_slice %arg5[%dma_wait3A_528] : memref<2576xi32, #tpu.memory_space<vmem>> -> memref<2560xi32, #tpu.memory_space<vmem>>
      %dma_wait3A_530 = tpu.memref_slice %arg3[%mul3A_34] : memref<81920xi32, #tpu.memory_space<hbm>> -> memref<2560xi32, #tpu.memory_space<hbm>>
      %dma_wait3A_531 = arith.constant 0 : i32
      %dma_wait3A_532 = tpu.memref_slice %arg5[%dma_wait3A_531] : memref<2576xi32, #tpu.memory_space<vmem>> -> memref<2560xi32, #tpu.memory_space<vmem>>
      %dma_wait3A_533 = tpu.memref_slice %arg3[%mul3A_34] : memref<81920xi32, #tpu.memory_space<hbm>> -> memref<2560xi32, #tpu.memory_space<hbm>>
      tpu.wait_dma2 semaphore(%run_scoped3A : memref<!tpu.dma_semaphore, #tpu.memory_space<semaphore_mem>>) src(%dma_wait3A_533 : memref<2560xi32, #tpu.memory_space<hbm>>) dst(%dma_wait3A_532 : memref<2560xi32, #tpu.memory_space<vmem>>)
      tpu.yield
    }) : () -> ()
    %iota3A = tpu.iota {dimensions = array<i32: 0>} : vector<16xi32>
    %mul3A_35 = arith.constant 4 : i32
    %mul3A_36 = arith.muli %select_n3A, %mul3A_35 : i32
    %add3A_37 = arith.constant 0 : i32
    %add3A_38 = arith.addi %mul3A_36, %add3A_37 : i32
    %mul3A_39 = arith.constant 1024 : i32
    %mul3A_40 = arith.muli %add3A_38, %mul3A_39 : i32
    %add3A_41 = arith.addi %mul3A_40, %mul3A_32 : i32
    %add3A_42 = arith.constant 0 : i32
    %add3A_43 = arith.addi %add3A_41, %add3A_42 : i32
    %dma_start3A = arith.constant 0 : i32
    %dma_start3A_44 = arith.constant 0 : i32
    %dma_start3A_45 = tpu.memref_slice %arg6[%dma_start3A, %dma_start3A_44] : memref<256x128xi32, #tpu.memory_space<vmem>> -> memref<64x128xi32, #tpu.memory_space<vmem>>
    %dma_start3A_46 = arith.constant 0 : i32
    %dma_start3A_47 = tpu.memref_slice %arg2[%add3A_43, %dma_start3A_46] : memref<32768x128xi32, #tpu.memory_space<hbm>> -> memref<64x128xi32, #tpu.memory_space<hbm>>
    %dma_start3A_48 = arith.constant 0 : i32
    %dma_start3A_49 = arith.constant 0 : i32
    %dma_start3A_50 = tpu.memref_slice %arg6[%dma_start3A_48, %dma_start3A_49] : memref<256x128xi32, #tpu.memory_space<vmem>> -> memref<64x128xi32, #tpu.memory_space<vmem>>
    %dma_start3A_51 = arith.constant 0 : i32
    %dma_start3A_52 = tpu.memref_slice %arg2[%add3A_43, %dma_start3A_51] : memref<32768x128xi32, #tpu.memory_space<hbm>> -> memref<64x128xi32, #tpu.memory_space<hbm>>
    tpu.enqueue_dma source(%dma_start3A_52 : memref<64x128xi32, #tpu.memory_space<hbm>>) target(%dma_start3A_50 : memref<64x128xi32, #tpu.memory_space<vmem>>) target_semaphore(%arg9 : memref<!tpu.dma_semaphore, #tpu.memory_space<semaphore_mem>>)
    %mul3A_53 = arith.constant 4 : i32
    %mul3A_54 = arith.muli %select_n3A, %mul3A_53 : i32
    %add3A_55 = arith.constant 1 : i32
    %add3A_56 = arith.addi %mul3A_54, %add3A_55 : i32
    %mul3A_57 = arith.constant 1024 : i32
    %mul3A_58 = arith.muli %add3A_56, %mul3A_57 : i32
    %add3A_59 = arith.addi %mul3A_58, %mul3A_32 : i32
    %add3A_60 = arith.constant 0 : i32
    %add3A_61 = arith.addi %add3A_59, %add3A_60 : i32
    %dma_start3A_62 = arith.constant 64 : i32
    %dma_start3A_63 = arith.constant 0 : i32
    %dma_start3A_64 = tpu.memref_slice %arg6[%dma_start3A_62, %dma_start3A_63] : memref<256x128xi32, #tpu.memory_space<vmem>> -> memref<64x128xi32, #tpu.memory_space<vmem>>
    %dma_start3A_65 = arith.constant 0 : i32
    %dma_start3A_66 = tpu.memref_slice %arg2[%add3A_61, %dma_start3A_65] : memref<32768x128xi32, #tpu.memory_space<hbm>> -> memref<64x128xi32, #tpu.memory_space<hbm>>
    %dma_start3A_67 = arith.constant 64 : i32
    %dma_start3A_68 = arith.constant 0 : i32
    %dma_start3A_69 = tpu.memref_slice %arg6[%dma_start3A_67, %dma_start3A_68] : memref<256x128xi32, #tpu.memory_space<vmem>> -> memref<64x128xi32, #tpu.memory_space<vmem>>
    %dma_start3A_70 = arith.constant 0 : i32
    %dma_start3A_71 = tpu.memref_slice %arg2[%add3A_61, %dma_start3A_70] : memref<32768x128xi32, #tpu.memory_space<hbm>> -> memref<64x128xi32, #tpu.memory_space<hbm>>
    tpu.enqueue_dma source(%dma_start3A_71 : memref<64x128xi32, #tpu.memory_space<hbm>>) target(%dma_start3A_69 : memref<64x128xi32, #tpu.memory_space<vmem>>) target_semaphore(%arg9 : memref<!tpu.dma_semaphore, #tpu.memory_space<semaphore_mem>>)
    %mul3A_72 = arith.constant 4 : i32
    %mul3A_73 = arith.muli %select_n3A, %mul3A_72 : i32
    %add3A_74 = arith.constant 2 : i32
    %add3A_75 = arith.addi %mul3A_73, %add3A_74 : i32
    %mul3A_76 = arith.constant 1024 : i32
    %mul3A_77 = arith.muli %add3A_75, %mul3A_76 : i32
    %add3A_78 = arith.addi %mul3A_77, %mul3A_32 : i32
    %add3A_79 = arith.constant 0 : i32
    %add3A_80 = arith.addi %add3A_78, %add3A_79 : i32
    %dma_start3A_81 = arith.constant 128 : i32
    %dma_start3A_82 = arith.constant 0 : i32
    %dma_start3A_83 = tpu.memref_slice %arg6[%dma_start3A_81, %dma_start3A_82] : memref<256x128xi32, #tpu.memory_space<vmem>> -> memref<64x128xi32, #tpu.memory_space<vmem>>
    %dma_start3A_84 = arith.constant 0 : i32
    %dma_start3A_85 = tpu.memref_slice %arg2[%add3A_80, %dma_start3A_84] : memref<32768x128xi32, #tpu.memory_space<hbm>> -> memref<64x128xi32, #tpu.memory_space<hbm>>
    %dma_start3A_86 = arith.constant 128 : i32
    %dma_start3A_87 = arith.constant 0 : i32
    %dma_start3A_88 = tpu.memref_slice %arg6[%dma_start3A_86, %dma_start3A_87] : memref<256x128xi32, #tpu.memory_space<vmem>> -> memref<64x128xi32, #tpu.memory_space<vmem>>
    %dma_start3A_89 = arith.constant 0 : i32
    %dma_start3A_90 = tpu.memref_slice %arg2[%add3A_80, %dma_start3A_89] : memref<32768x128xi32, #tpu.memory_space<hbm>> -> memref<64x128xi32, #tpu.memory_space<hbm>>
    tpu.enqueue_dma source(%dma_start3A_90 : memref<64x128xi32, #tpu.memory_space<hbm>>) target(%dma_start3A_88 : memref<64x128xi32, #tpu.memory_space<vmem>>) target_semaphore(%arg9 : memref<!tpu.dma_semaphore, #tpu.memory_space<semaphore_mem>>)
    %mul3A_91 = arith.constant 4 : i32
    %mul3A_92 = arith.muli %select_n3A, %mul3A_91 : i32
    %add3A_93 = arith.constant 3 : i32
    %add3A_94 = arith.addi %mul3A_92, %add3A_93 : i32
    %mul3A_95 = arith.constant 1024 : i32
    %mul3A_96 = arith.muli %add3A_94, %mul3A_95 : i32
    %add3A_97 = arith.addi %mul3A_96, %mul3A_32 : i32
    %add3A_98 = arith.constant 0 : i32
    %add3A_99 = arith.addi %add3A_97, %add3A_98 : i32
    %dma_start3A_100 = arith.constant 192 : i32
    %dma_start3A_101 = arith.constant 0 : i32
    %dma_start3A_102 = tpu.memref_slice %arg6[%dma_start3A_100, %dma_start3A_101] : memref<256x128xi32, #tpu.memory_space<vmem>> -> memref<64x128xi32, #tpu.memory_space<vmem>>
    %dma_start3A_103 = arith.constant 0 : i32
    %dma_start3A_104 = tpu.memref_slice %arg2[%add3A_99, %dma_start3A_103] : memref<32768x128xi32, #tpu.memory_space<hbm>> -> memref<64x128xi32, #tpu.memory_space<hbm>>
    %dma_start3A_105 = arith.constant 192 : i32
    %dma_start3A_106 = arith.constant 0 : i32
    %dma_start3A_107 = tpu.memref_slice %arg6[%dma_start3A_105, %dma_start3A_106] : memref<256x128xi32, #tpu.memory_space<vmem>> -> memref<64x128xi32, #tpu.memory_space<vmem>>
    %dma_start3A_108 = arith.constant 0 : i32
    %dma_start3A_109 = tpu.memref_slice %arg2[%add3A_99, %dma_start3A_108] : memref<32768x128xi32, #tpu.memory_space<hbm>> -> memref<64x128xi32, #tpu.memory_space<hbm>>
    tpu.enqueue_dma source(%dma_start3A_109 : memref<64x128xi32, #tpu.memory_space<hbm>>) target(%dma_start3A_107 : memref<64x128xi32, #tpu.memory_space<vmem>>) target_semaphore(%arg9 : memref<!tpu.dma_semaphore, #tpu.memory_space<semaphore_mem>>)
    %mul3A_110 = arith.constant 4 : i32
    %mul3A_111 = arith.muli %select_n3A, %mul3A_110 : i32
    %add3A_112 = arith.constant 0 : i32
    %add3A_113 = arith.addi %mul3A_111, %add3A_112 : i32
    %mul3A_114 = arith.constant 1024 : i32
    %mul3A_115 = arith.muli %add3A_113, %mul3A_114 : i32
    %add3A_116 = arith.addi %mul3A_115, %mul3A_32 : i32
    %add3A_117 = arith.constant 64 : i32
    %add3A_118 = arith.addi %add3A_116, %add3A_117 : i32
    %dma_start3A_119 = arith.constant 0 : i32
    %dma_start3A_120 = arith.constant 0 : i32
    %dma_start3A_121 = tpu.memref_slice %arg7[%dma_start3A_119, %dma_start3A_120] : memref<256x128xi32, #tpu.memory_space<vmem>> -> memref<64x128xi32, #tpu.memory_space<vmem>>
    %dma_start3A_122 = arith.constant 0 : i32
    %dma_start3A_123 = tpu.memref_slice %arg2[%add3A_118, %dma_start3A_122] : memref<32768x128xi32, #tpu.memory_space<hbm>> -> memref<64x128xi32, #tpu.memory_space<hbm>>
    %dma_start3A_124 = arith.constant 0 : i32
    %dma_start3A_125 = arith.constant 0 : i32
    %dma_start3A_126 = tpu.memref_slice %arg7[%dma_start3A_124, %dma_start3A_125] : memref<256x128xi32, #tpu.memory_space<vmem>> -> memref<64x128xi32, #tpu.memory_space<vmem>>
    %dma_start3A_127 = arith.constant 0 : i32
    %dma_start3A_128 = tpu.memref_slice %arg2[%add3A_118, %dma_start3A_127] : memref<32768x128xi32, #tpu.memory_space<hbm>> -> memref<64x128xi32, #tpu.memory_space<hbm>>
    tpu.enqueue_dma source(%dma_start3A_128 : memref<64x128xi32, #tpu.memory_space<hbm>>) target(%dma_start3A_126 : memref<64x128xi32, #tpu.memory_space<vmem>>) target_semaphore(%arg10 : memref<!tpu.dma_semaphore, #tpu.memory_space<semaphore_mem>>)
    %mul3A_129 = arith.constant 4 : i32
    %mul3A_130 = arith.muli %select_n3A, %mul3A_129 : i32
    %add3A_131 = arith.constant 1 : i32
    %add3A_132 = arith.addi %mul3A_130, %add3A_131 : i32
    %mul3A_133 = arith.constant 1024 : i32
    %mul3A_134 = arith.muli %add3A_132, %mul3A_133 : i32
    %add3A_135 = arith.addi %mul3A_134, %mul3A_32 : i32
    %add3A_136 = arith.constant 64 : i32
    %add3A_137 = arith.addi %add3A_135, %add3A_136 : i32
    %dma_start3A_138 = arith.constant 64 : i32
    %dma_start3A_139 = arith.constant 0 : i32
    %dma_start3A_140 = tpu.memref_slice %arg7[%dma_start3A_138, %dma_start3A_139] : memref<256x128xi32, #tpu.memory_space<vmem>> -> memref<64x128xi32, #tpu.memory_space<vmem>>
    %dma_start3A_141 = arith.constant 0 : i32
    %dma_start3A_142 = tpu.memref_slice %arg2[%add3A_137, %dma_start3A_141] : memref<32768x128xi32, #tpu.memory_space<hbm>> -> memref<64x128xi32, #tpu.memory_space<hbm>>
    %dma_start3A_143 = arith.constant 64 : i32
    %dma_start3A_144 = arith.constant 0 : i32
    %dma_start3A_145 = tpu.memref_slice %arg7[%dma_start3A_143, %dma_start3A_144] : memref<256x128xi32, #tpu.memory_space<vmem>> -> memref<64x128xi32, #tpu.memory_space<vmem>>
    %dma_start3A_146 = arith.constant 0 : i32
    %dma_start3A_147 = tpu.memref_slice %arg2[%add3A_137, %dma_start3A_146] : memref<32768x128xi32, #tpu.memory_space<hbm>> -> memref<64x128xi32, #tpu.memory_space<hbm>>
    tpu.enqueue_dma source(%dma_start3A_147 : memref<64x128xi32, #tpu.memory_space<hbm>>) target(%dma_start3A_145 : memref<64x128xi32, #tpu.memory_space<vmem>>) target_semaphore(%arg10 : memref<!tpu.dma_semaphore, #tpu.memory_space<semaphore_mem>>)
    %mul3A_148 = arith.constant 4 : i32
    %mul3A_149 = arith.muli %select_n3A, %mul3A_148 : i32
    %add3A_150 = arith.constant 2 : i32
    %add3A_151 = arith.addi %mul3A_149, %add3A_150 : i32
    %mul3A_152 = arith.constant 1024 : i32
    %mul3A_153 = arith.muli %add3A_151, %mul3A_152 : i32
    %add3A_154 = arith.addi %mul3A_153, %mul3A_32 : i32
    %add3A_155 = arith.constant 64 : i32
    %add3A_156 = arith.addi %add3A_154, %add3A_155 : i32
    %dma_start3A_157 = arith.constant 128 : i32
    %dma_start3A_158 = arith.constant 0 : i32
    %dma_start3A_159 = tpu.memref_slice %arg7[%dma_start3A_157, %dma_start3A_158] : memref<256x128xi32, #tpu.memory_space<vmem>> -> memref<64x128xi32, #tpu.memory_space<vmem>>
    %dma_start3A_160 = arith.constant 0 : i32
    %dma_start3A_161 = tpu.memref_slice %arg2[%add3A_156, %dma_start3A_160] : memref<32768x128xi32, #tpu.memory_space<hbm>> -> memref<64x128xi32, #tpu.memory_space<hbm>>
    %dma_start3A_162 = arith.constant 128 : i32
    %dma_start3A_163 = arith.constant 0 : i32
    %dma_start3A_164 = tpu.memref_slice %arg7[%dma_start3A_162, %dma_start3A_163] : memref<256x128xi32, #tpu.memory_space<vmem>> -> memref<64x128xi32, #tpu.memory_space<vmem>>
    %dma_start3A_165 = arith.constant 0 : i32
    %dma_start3A_166 = tpu.memref_slice %arg2[%add3A_156, %dma_start3A_165] : memref<32768x128xi32, #tpu.memory_space<hbm>> -> memref<64x128xi32, #tpu.memory_space<hbm>>
    tpu.enqueue_dma source(%dma_start3A_166 : memref<64x128xi32, #tpu.memory_space<hbm>>) target(%dma_start3A_164 : memref<64x128xi32, #tpu.memory_space<vmem>>) target_semaphore(%arg10 : memref<!tpu.dma_semaphore, #tpu.memory_space<semaphore_mem>>)
    %mul3A_167 = arith.constant 4 : i32
    %mul3A_168 = arith.muli %select_n3A, %mul3A_167 : i32
    %add3A_169 = arith.constant 3 : i32
    %add3A_170 = arith.addi %mul3A_168, %add3A_169 : i32
    %mul3A_171 = arith.constant 1024 : i32
    %mul3A_172 = arith.muli %add3A_170, %mul3A_171 : i32
    %add3A_173 = arith.addi %mul3A_172, %mul3A_32 : i32
    %add3A_174 = arith.constant 64 : i32
    %add3A_175 = arith.addi %add3A_173, %add3A_174 : i32
    %dma_start3A_176 = arith.constant 192 : i32
    %dma_start3A_177 = arith.constant 0 : i32
    %dma_start3A_178 = tpu.memref_slice %arg7[%dma_start3A_176, %dma_start3A_177] : memref<256x128xi32, #tpu.memory_space<vmem>> -> memref<64x128xi32, #tpu.memory_space<vmem>>
    %dma_start3A_179 = arith.constant 0 : i32
    %dma_start3A_180 = tpu.memref_slice %arg2[%add3A_175, %dma_start3A_179] : memref<32768x128xi32, #tpu.memory_space<hbm>> -> memref<64x128xi32, #tpu.memory_space<hbm>>
    %dma_start3A_181 = arith.constant 192 : i32
    %dma_start3A_182 = arith.constant 0 : i32
    %dma_start3A_183 = tpu.memref_slice %arg7[%dma_start3A_181, %dma_start3A_182] : memref<256x128xi32, #tpu.memory_space<vmem>> -> memref<64x128xi32, #tpu.memory_space<vmem>>
    %dma_start3A_184 = arith.constant 0 : i32
    %dma_start3A_185 = tpu.memref_slice %arg2[%add3A_175, %dma_start3A_184] : memref<32768x128xi32, #tpu.memory_space<hbm>> -> memref<64x128xi32, #tpu.memory_space<hbm>>
    tpu.enqueue_dma source(%dma_start3A_185 : memref<64x128xi32, #tpu.memory_space<hbm>>) target(%dma_start3A_183 : memref<64x128xi32, #tpu.memory_space<vmem>>) target_semaphore(%arg10 : memref<!tpu.dma_semaphore, #tpu.memory_space<semaphore_mem>>)
    %dma_wait3A = arith.constant 0 : i32
    %dma_wait3A_186 = arith.constant 0 : i32
    %dma_wait3A_187 = tpu.memref_slice %arg6[%dma_wait3A, %dma_wait3A_186] : memref<256x128xi32, #tpu.memory_space<vmem>> -> memref<64x128xi32, #tpu.memory_space<vmem>>
    %dma_wait3A_188 = arith.constant 0 : i32
    %dma_wait3A_189 = tpu.memref_slice %arg2[%add3A_43, %dma_wait3A_188] : memref<32768x128xi32, #tpu.memory_space<hbm>> -> memref<64x128xi32, #tpu.memory_space<hbm>>
    %dma_wait3A_190 = arith.constant 0 : i32
    %dma_wait3A_191 = arith.constant 0 : i32
    %dma_wait3A_192 = tpu.memref_slice %arg6[%dma_wait3A_190, %dma_wait3A_191] : memref<256x128xi32, #tpu.memory_space<vmem>> -> memref<64x128xi32, #tpu.memory_space<vmem>>
    %dma_wait3A_193 = arith.constant 0 : i32
    %dma_wait3A_194 = tpu.memref_slice %arg2[%add3A_43, %dma_wait3A_193] : memref<32768x128xi32, #tpu.memory_space<hbm>> -> memref<64x128xi32, #tpu.memory_space<hbm>>
    tpu.wait_dma2 semaphore(%arg9 : memref<!tpu.dma_semaphore, #tpu.memory_space<semaphore_mem>>) src(%dma_wait3A_194 : memref<64x128xi32, #tpu.memory_space<hbm>>) dst(%dma_wait3A_192 : memref<64x128xi32, #tpu.memory_space<vmem>>)
    %dma_wait3A_195 = arith.constant 64 : i32
    %dma_wait3A_196 = arith.constant 0 : i32
    %dma_wait3A_197 = tpu.memref_slice %arg6[%dma_wait3A_195, %dma_wait3A_196] : memref<256x128xi32, #tpu.memory_space<vmem>> -> memref<64x128xi32, #tpu.memory_space<vmem>>
    %dma_wait3A_198 = arith.constant 0 : i32
    %dma_wait3A_199 = tpu.memref_slice %arg2[%add3A_61, %dma_wait3A_198] : memref<32768x128xi32, #tpu.memory_space<hbm>> -> memref<64x128xi32, #tpu.memory_space<hbm>>
    %dma_wait3A_200 = arith.constant 64 : i32
    %dma_wait3A_201 = arith.constant 0 : i32
    %dma_wait3A_202 = tpu.memref_slice %arg6[%dma_wait3A_200, %dma_wait3A_201] : memref<256x128xi32, #tpu.memory_space<vmem>> -> memref<64x128xi32, #tpu.memory_space<vmem>>
    %dma_wait3A_203 = arith.constant 0 : i32
    %dma_wait3A_204 = tpu.memref_slice %arg2[%add3A_61, %dma_wait3A_203] : memref<32768x128xi32, #tpu.memory_space<hbm>> -> memref<64x128xi32, #tpu.memory_space<hbm>>
    tpu.wait_dma2 semaphore(%arg9 : memref<!tpu.dma_semaphore, #tpu.memory_space<semaphore_mem>>) src(%dma_wait3A_204 : memref<64x128xi32, #tpu.memory_space<hbm>>) dst(%dma_wait3A_202 : memref<64x128xi32, #tpu.memory_space<vmem>>)
    %dma_wait3A_205 = arith.constant 128 : i32
    %dma_wait3A_206 = arith.constant 0 : i32
    %dma_wait3A_207 = tpu.memref_slice %arg6[%dma_wait3A_205, %dma_wait3A_206] : memref<256x128xi32, #tpu.memory_space<vmem>> -> memref<64x128xi32, #tpu.memory_space<vmem>>
    %dma_wait3A_208 = arith.constant 0 : i32
    %dma_wait3A_209 = tpu.memref_slice %arg2[%add3A_80, %dma_wait3A_208] : memref<32768x128xi32, #tpu.memory_space<hbm>> -> memref<64x128xi32, #tpu.memory_space<hbm>>
    %dma_wait3A_210 = arith.constant 128 : i32
    %dma_wait3A_211 = arith.constant 0 : i32
    %dma_wait3A_212 = tpu.memref_slice %arg6[%dma_wait3A_210, %dma_wait3A_211] : memref<256x128xi32, #tpu.memory_space<vmem>> -> memref<64x128xi32, #tpu.memory_space<vmem>>
    %dma_wait3A_213 = arith.constant 0 : i32
    %dma_wait3A_214 = tpu.memref_slice %arg2[%add3A_80, %dma_wait3A_213] : memref<32768x128xi32, #tpu.memory_space<hbm>> -> memref<64x128xi32, #tpu.memory_space<hbm>>
    tpu.wait_dma2 semaphore(%arg9 : memref<!tpu.dma_semaphore, #tpu.memory_space<semaphore_mem>>) src(%dma_wait3A_214 : memref<64x128xi32, #tpu.memory_space<hbm>>) dst(%dma_wait3A_212 : memref<64x128xi32, #tpu.memory_space<vmem>>)
    %dma_wait3A_215 = arith.constant 192 : i32
    %dma_wait3A_216 = arith.constant 0 : i32
    %dma_wait3A_217 = tpu.memref_slice %arg6[%dma_wait3A_215, %dma_wait3A_216] : memref<256x128xi32, #tpu.memory_space<vmem>> -> memref<64x128xi32, #tpu.memory_space<vmem>>
    %dma_wait3A_218 = arith.constant 0 : i32
    %dma_wait3A_219 = tpu.memref_slice %arg2[%add3A_99, %dma_wait3A_218] : memref<32768x128xi32, #tpu.memory_space<hbm>> -> memref<64x128xi32, #tpu.memory_space<hbm>>
    %dma_wait3A_220 = arith.constant 192 : i32
    %dma_wait3A_221 = arith.constant 0 : i32
    %dma_wait3A_222 = tpu.memref_slice %arg6[%dma_wait3A_220, %dma_wait3A_221] : memref<256x128xi32, #tpu.memory_space<vmem>> -> memref<64x128xi32, #tpu.memory_space<vmem>>
    %dma_wait3A_223 = arith.constant 0 : i32
    %dma_wait3A_224 = tpu.memref_slice %arg2[%add3A_99, %dma_wait3A_223] : memref<32768x128xi32, #tpu.memory_space<hbm>> -> memref<64x128xi32, #tpu.memory_space<hbm>>
    tpu.wait_dma2 semaphore(%arg9 : memref<!tpu.dma_semaphore, #tpu.memory_space<semaphore_mem>>) src(%dma_wait3A_224 : memref<64x128xi32, #tpu.memory_space<hbm>>) dst(%dma_wait3A_222 : memref<64x128xi32, #tpu.memory_space<vmem>>)
    %scan3A = arith.constant 0 : i32
    %scan3A_225 = arith.constant 0 : i32
    %scan3A_226 = arith.constant 64 : i32
    %scan3A_227 = arith.addi %scan3A_225, %scan3A_226 : i32
    %scan3A_228 = arith.constant 1 : i32
    scf.for %scan3A_522 = %scan3A_225 to %scan3A_227 step %scan3A_228  : i32 {
      %add3A_523 = arith.constant 0 : i32
      %add3A_524 = arith.addi %add3A_523, %scan3A_522 : i32
      %mul3A_525 = arith.constant 10 : i32
      %mul3A_526 = arith.muli %add3A_524, %mul3A_525 : i32
      %get3A = arith.index_cast %mul3A_526 : i32 to index
      %get3A_527 = tpu.vector_load %arg5[%get3A] {strides = array<i32>} : memref<2576xi32, #tpu.memory_space<vmem>>, vector<16xi32>,
      %and3A_528 = arith.constant 7 : i32
      %and3A_529 = vector.broadcast %and3A_528 : i32 to vector<16xi32>
      %and3A_530 = arith.andi %get3A_527, %and3A_529 : vector<16xi32>
      %shift_left3A = arith.constant 7 : i32
      %shift_left3A_531 = vector.broadcast %shift_left3A : i32 to vector<16xi32>
      %shift_left3A_532 = arith.shli %and3A_530, %shift_left3A_531 : vector<16xi32>
      %shift_right_logical3A = arith.constant 3 : i32
      %shift_right_logical3A_533 = vector.broadcast %shift_right_logical3A : i32 to vector<16xi32>
      %shift_right_logical3A_534 = arith.shrui %get3A_527, %shift_right_logical3A_533 : vector<16xi32>
      %or3A = arith.ori %shift_left3A_532, %shift_right_logical3A_534 : vector<16xi32>
      %broadcast_in_dim3A = arith.constant 0 : i32
      %broadcast_in_dim3A_535 = vector.broadcast %broadcast_in_dim3A : i32 to vector<16xi32>
      %add3A_536 = arith.addi %mul3A_32, %add3A_524 : i32
      %add3A_537 = vector.broadcast %add3A_536 : i32 to vector<16xi32>
      %add3A_538 = arith.addi %broadcast_in_dim3A_535, %add3A_537 : vector<16xi32>
      %ge3A = arith.constant 10 : i32
      %ge3A_539 = vector.broadcast %ge3A : i32 to vector<16xi32>
      %ge3A_540 = arith.cmpi sge, %iota3A, %ge3A_539 : vector<16xi32>
      %select_n3A_541 = arith.select %ge3A_540, %add3A_538, %or3A : vector<16xi1>, vector<16xi32>
      %shift_right_logical3A_542 = arith.constant 8 : i32
      %shift_right_logical3A_543 = vector.broadcast %shift_right_logical3A_542 : i32 to vector<16xi32>
      %shift_right_logical3A_544 = arith.shrui %select_n3A_541, %shift_right_logical3A_543 : vector<16xi32>
      %mul3A_545 = arith.constant 64 : i32
      %mul3A_546 = vector.broadcast %mul3A_545 : i32 to vector<16xi32>
      %mul3A_547 = arith.muli %shift_right_logical3A_544, %mul3A_546 : vector<16xi32>
      %add3A_548 = vector.broadcast %scan3A_522 : i32 to vector<16xi32>
      %add3A_549 = arith.addi %mul3A_547, %add3A_548 : vector<16xi32>
      %and3A_550 = arith.constant 127 : i32
      %and3A_551 = vector.broadcast %and3A_550 : i32 to vector<16xi32>
      %and3A_552 = arith.andi %select_n3A_541, %and3A_551 : vector<16xi32>
      %gather3A = tpu.vector_load_idx %arg6[%add3A_549, %and3A_552] : memref<256x128xi32, #tpu.memory_space<vmem>>[vector<16xi32>, vector<16xi32>], vector<16xi32>,
      %shift_right_logical3A_553 = arith.constant 7 : i32
      %shift_right_logical3A_554 = vector.broadcast %shift_right_logical3A_553 : i32 to vector<16xi32>
      %shift_right_logical3A_555 = arith.shrui %select_n3A_541, %shift_right_logical3A_554 : vector<16xi32>
      %and3A_556 = arith.constant 1 : i32
      %and3A_557 = vector.broadcast %and3A_556 : i32 to vector<16xi32>
      %and3A_558 = arith.andi %shift_right_logical3A_555, %and3A_557 : vector<16xi32>
      %mul3A_559 = arith.constant 16 : i32
      %mul3A_560 = vector.broadcast %mul3A_559 : i32 to vector<16xi32>
      %mul3A_561 = arith.muli %and3A_558, %mul3A_560 : vector<16xi32>
      %shift_right_logical3A_562 = arith.shrui %gather3A, %mul3A_561 : vector<16xi32>
      %and3A_563 = arith.constant 65535 : i32
      %and3A_564 = vector.broadcast %and3A_563 : i32 to vector<16xi32>
      %and3A_565 = arith.andi %shift_right_logical3A_562, %and3A_564 : vector<16xi32>
      %shift_left3A_566 = arith.constant 16 : i32
      %shift_left3A_567 = vector.broadcast %shift_left3A_566 : i32 to vector<16xi32>
      %shift_left3A_568 = arith.shli %and3A_565, %shift_left3A_567 : vector<16xi32>
      %bitcast3A = vector.bitcast %shift_left3A_568 : vector<16xi32> to vector<16xf32>
      %gt3A = arith.constant 10 : i32
      %gt3A_569 = vector.broadcast %gt3A : i32 to vector<16xi32>
      %gt3A_570 = arith.cmpi sgt, %iota3A, %gt3A_569 : vector<16xi32>
      %lt3A_571 = arith.constant 10 : i32
      %lt3A_572 = vector.broadcast %lt3A_571 : i32 to vector<16xi32>
      %lt3A_573 = arith.cmpi slt, %iota3A, %lt3A_572 : vector<16xi32>
      %eq3A_574 = arith.cmpi eq, %select_n3A_541, %add3A_538 : vector<16xi32>
      %and3A_575 = arith.andi %lt3A_573, %eq3A_574 : vector<16xi1>
      %or3A_576 = arith.ori %gt3A_570, %and3A_575 : vector<16xi1>
      %jit3A_577 = arith.constant 0xFF800000 : f32
      %broadcast_in_dim3A_578 = vector.broadcast %jit3A_577 : f32 to vector<16xf32>
      %select_n3A_579 = arith.select %or3A_576, %broadcast_in_dim3A_578, %bitcast3A : vector<16xi1>, vector<16xf32>
      %jit3A_580 = arith.constant 8 : i32
      %div3A_581 = arith.divsi %add3A_524, %jit3A_580 : i32
      %sign3A_582 = arith.constant 0 : i32
      %sign3A_583 = arith.cmpi sgt, %add3A_524, %sign3A_582 : i32
      %sign3A_584 = arith.extui %sign3A_583 : i1 to i32
      %sign3A_585 = arith.constant 0 : i32
      %sign3A_586 = arith.cmpi slt, %add3A_524, %sign3A_585 : i32
      %sign3A_587 = arith.extui %sign3A_586 : i1 to i32
      %sign3A_588 = arith.subi %sign3A_584, %sign3A_587 : i32
      %sign3A_589 = arith.constant 0 : i32
      %sign3A_590 = arith.cmpi sgt, %jit3A_580, %sign3A_589 : i32
      %sign3A_591 = arith.extui %sign3A_590 : i1 to i32
      %sign3A_592 = arith.constant 0 : i32
      %sign3A_593 = arith.cmpi slt, %jit3A_580, %sign3A_592 : i32
      %sign3A_594 = arith.extui %sign3A_593 : i1 to i32
      %sign3A_595 = arith.subi %sign3A_591, %sign3A_594 : i32
      %ne3A_596 = arith.cmpi ne, %sign3A_588, %sign3A_595 : i32
      %rem3A_597 = arith.remsi %add3A_524, %jit3A_580 : i32
      %ne3A_598 = arith.constant 0 : i32
      %ne3A_599 = arith.cmpi ne, %rem3A_597, %ne3A_598 : i32
      %and3A_600 = arith.andi %ne3A_596, %ne3A_599 : i1
      %sub3A_601 = arith.constant 1 : i32
      %sub3A_602 = arith.subi %div3A_581, %sub3A_601 : i32
      %select_n3A_603 = arith.select %and3A_600, %sub3A_602, %div3A_581 : i32
      %jit3A_604 = arith.constant 8 : i32
      %eq3A_605 = arith.constant 0 : i32
      %eq3A_606 = arith.cmpi eq, %jit3A_604, %eq3A_605 : i32
      %jit3A_607 = arith.constant 1 : i32
      %select_n3A_608 = arith.select %eq3A_606, %jit3A_607, %jit3A_604 : i32
      %rem3A_609 = arith.remsi %add3A_524, %select_n3A_608 : i32
      %ne3A_610 = arith.constant 0 : i32
      %ne3A_611 = arith.cmpi ne, %rem3A_609, %ne3A_610 : i32
      %lt3A_612 = arith.constant 0 : i32
      %lt3A_613 = arith.cmpi slt, %rem3A_609, %lt3A_612 : i32
      %lt3A_614 = arith.constant 0 : i32
      %lt3A_615 = arith.cmpi slt, %select_n3A_608, %lt3A_614 : i32
      %ne3A_616 = arith.xori %lt3A_613, %lt3A_615 : i1
      %and3A_617 = arith.andi %ne3A_616, %ne3A_611 : i1
      %add3A_618 = arith.addi %rem3A_609, %select_n3A_608 : i32
      %select_n3A_619 = arith.select %and3A_617, %add3A_618, %rem3A_609 : i32
      %mul3A_620 = arith.constant 16 : i32
      %mul3A_621 = arith.muli %select_n3A_619, %mul3A_620 : i32
      %swap3A = arith.index_cast %select_n3A_603 : i32 to index
      %swap3A_622 = arith.index_cast %mul3A_621 : i32 to index
      %swap3A_623 = tpu.vector_load %arg8[%swap3A, %swap3A_622] {strides = array<i32>} : memref<32x128xf32, #tpu.memory_space<vmem>>, vector<16xf32>,
      tpu.vector_store %arg8[%swap3A, %swap3A_622], %select_n3A_579 {strides = array<i32>} : memref<32x128xf32, #tpu.memory_space<vmem>>, vector<16xf32>,
    }
    %scan3A_229 = arith.constant 64 : i32
    %mul3A_230 = arith.constant 4 : i32
    %mul3A_231 = arith.muli %select_n3A, %mul3A_230 : i32
    %add3A_232 = arith.constant 0 : i32
    %add3A_233 = arith.addi %mul3A_231, %add3A_232 : i32
    %mul3A_234 = arith.constant 1024 : i32
    %mul3A_235 = arith.muli %add3A_233, %mul3A_234 : i32
    %add3A_236 = arith.addi %mul3A_235, %mul3A_32 : i32
    %add3A_237 = arith.constant 128 : i32
    %add3A_238 = arith.addi %add3A_236, %add3A_237 : i32
    %dma_start3A_239 = arith.constant 0 : i32
    %dma_start3A_240 = arith.constant 0 : i32
    %dma_start3A_241 = tpu.memref_slice %arg6[%dma_start3A_239, %dma_start3A_240] : memref<256x128xi32, #tpu.memory_space<vmem>> -> memref<64x128xi32, #tpu.memory_space<vmem>>
    %dma_start3A_242 = arith.constant 0 : i32
    %dma_start3A_243 = tpu.memref_slice %arg2[%add3A_238, %dma_start3A_242] : memref<32768x128xi32, #tpu.memory_space<hbm>> -> memref<64x128xi32, #tpu.memory_space<hbm>>
    %dma_start3A_244 = arith.constant 0 : i32
    %dma_start3A_245 = arith.constant 0 : i32
    %dma_start3A_246 = tpu.memref_slice %arg6[%dma_start3A_244, %dma_start3A_245] : memref<256x128xi32, #tpu.memory_space<vmem>> -> memref<64x128xi32, #tpu.memory_space<vmem>>
    %dma_start3A_247 = arith.constant 0 : i32
    %dma_start3A_248 = tpu.memref_slice %arg2[%add3A_238, %dma_start3A_247] : memref<32768x128xi32, #tpu.memory_space<hbm>> -> memref<64x128xi32, #tpu.memory_space<hbm>>
    tpu.enqueue_dma source(%dma_start3A_248 : memref<64x128xi32, #tpu.memory_space<hbm>>) target(%dma_start3A_246 : memref<64x128xi32, #tpu.memory_space<vmem>>) target_semaphore(%arg9 : memref<!tpu.dma_semaphore, #tpu.memory_space<semaphore_mem>>)
    %mul3A_249 = arith.constant 4 : i32
    %mul3A_250 = arith.muli %select_n3A, %mul3A_249 : i32
    %add3A_251 = arith.constant 1 : i32
    %add3A_252 = arith.addi %mul3A_250, %add3A_251 : i32
    %mul3A_253 = arith.constant 1024 : i32
    %mul3A_254 = arith.muli %add3A_252, %mul3A_253 : i32
    %add3A_255 = arith.addi %mul3A_254, %mul3A_32 : i32
    %add3A_256 = arith.constant 128 : i32
    %add3A_257 = arith.addi %add3A_255, %add3A_256 : i32
    %dma_start3A_258 = arith.constant 64 : i32
    %dma_start3A_259 = arith.constant 0 : i32
    %dma_start3A_260 = tpu.memref_slice %arg6[%dma_start3A_258, %dma_start3A_259] : memref<256x128xi32, #tpu.memory_space<vmem>> -> memref<64x128xi32, #tpu.memory_space<vmem>>
    %dma_start3A_261 = arith.constant 0 : i32
    %dma_start3A_262 = tpu.memref_slice %arg2[%add3A_257, %dma_start3A_261] : memref<32768x128xi32, #tpu.memory_space<hbm>> -> memref<64x128xi32, #tpu.memory_space<hbm>>
    %dma_start3A_263 = arith.constant 64 : i32
    %dma_start3A_264 = arith.constant 0 : i32
    %dma_start3A_265 = tpu.memref_slice %arg6[%dma_start3A_263, %dma_start3A_264] : memref<256x128xi32, #tpu.memory_space<vmem>> -> memref<64x128xi32, #tpu.memory_space<vmem>>
    %dma_start3A_266 = arith.constant 0 : i32
    %dma_start3A_267 = tpu.memref_slice %arg2[%add3A_257, %dma_start3A_266] : memref<32768x128xi32, #tpu.memory_space<hbm>> -> memref<64x128xi32, #tpu.memory_space<hbm>>
    tpu.enqueue_dma source(%dma_start3A_267 : memref<64x128xi32, #tpu.memory_space<hbm>>) target(%dma_start3A_265 : memref<64x128xi32, #tpu.memory_space<vmem>>) target_semaphore(%arg9 : memref<!tpu.dma_semaphore, #tpu.memory_space<semaphore_mem>>)
    %mul3A_268 = arith.constant 4 : i32
    %mul3A_269 = arith.muli %select_n3A, %mul3A_268 : i32
    %add3A_270 = arith.constant 2 : i32
    %add3A_271 = arith.addi %mul3A_269, %add3A_270 : i32
    %mul3A_272 = arith.constant 1024 : i32
    %mul3A_273 = arith.muli %add3A_271, %mul3A_272 : i32
    %add3A_274 = arith.addi %mul3A_273, %mul3A_32 : i32
    %add3A_275 = arith.constant 128 : i32
    %add3A_276 = arith.addi %add3A_274, %add3A_275 : i32
    %dma_start3A_277 = arith.constant 128 : i32
    %dma_start3A_278 = arith.constant 0 : i32
    %dma_start3A_279 = tpu.memref_slice %arg6[%dma_start3A_277, %dma_start3A_278] : memref<256x128xi32, #tpu.memory_space<vmem>> -> memref<64x128xi32, #tpu.memory_space<vmem>>
    %dma_start3A_280 = arith.constant 0 : i32
    %dma_start3A_281 = tpu.memref_slice %arg2[%add3A_276, %dma_start3A_280] : memref<32768x128xi32, #tpu.memory_space<hbm>> -> memref<64x128xi32, #tpu.memory_space<hbm>>
    %dma_start3A_282 = arith.constant 128 : i32
    %dma_start3A_283 = arith.constant 0 : i32
    %dma_start3A_284 = tpu.memref_slice %arg6[%dma_start3A_282, %dma_start3A_283] : memref<256x128xi32, #tpu.memory_space<vmem>> -> memref<64x128xi32, #tpu.memory_space<vmem>>
    %dma_start3A_285 = arith.constant 0 : i32
    %dma_start3A_286 = tpu.memref_slice %arg2[%add3A_276, %dma_start3A_285] : memref<32768x128xi32, #tpu.memory_space<hbm>> -> memref<64x128xi32, #tpu.memory_space<hbm>>
    tpu.enqueue_dma source(%dma_start3A_286 : memref<64x128xi32, #tpu.memory_space<hbm>>) target(%dma_start3A_284 : memref<64x128xi32, #tpu.memory_space<vmem>>) target_semaphore(%arg9 : memref<!tpu.dma_semaphore, #tpu.memory_space<semaphore_mem>>)
    %mul3A_287 = arith.constant 4 : i32
    %mul3A_288 = arith.muli %select_n3A, %mul3A_287 : i32
    %add3A_289 = arith.constant 3 : i32
    %add3A_290 = arith.addi %mul3A_288, %add3A_289 : i32
    %mul3A_291 = arith.constant 1024 : i32
    %mul3A_292 = arith.muli %add3A_290, %mul3A_291 : i32
    %add3A_293 = arith.addi %mul3A_292, %mul3A_32 : i32
    %add3A_294 = arith.constant 128 : i32
    %add3A_295 = arith.addi %add3A_293, %add3A_294 : i32
    %dma_start3A_296 = arith.constant 192 : i32
    %dma_start3A_297 = arith.constant 0 : i32
    %dma_start3A_298 = tpu.memref_slice %arg6[%dma_start3A_296, %dma_start3A_297] : memref<256x128xi32, #tpu.memory_space<vmem>> -> memref<64x128xi32, #tpu.memory_space<vmem>>
    %dma_start3A_299 = arith.constant 0 : i32
    %dma_start3A_300 = tpu.memref_slice %arg2[%add3A_295, %dma_start3A_299] : memref<32768x128xi32, #tpu.memory_space<hbm>> -> memref<64x128xi32, #tpu.memory_space<hbm>>
    %dma_start3A_301 = arith.constant 192 : i32
    %dma_start3A_302 = arith.constant 0 : i32
    %dma_start3A_303 = tpu.memref_slice %arg6[%dma_start3A_301, %dma_start3A_302] : memref<256x128xi32, #tpu.memory_space<vmem>> -> memref<64x128xi32, #tpu.memory_space<vmem>>
    %dma_start3A_304 = arith.constant 0 : i32
    %dma_start3A_305 = tpu.memref_slice %arg2[%add3A_295, %dma_start3A_304] : memref<32768x128xi32, #tpu.memory_space<hbm>> -> memref<64x128xi32, #tpu.memory_space<hbm>>
    tpu.enqueue_dma source(%dma_start3A_305 : memref<64x128xi32, #tpu.memory_space<hbm>>) target(%dma_start3A_303 : memref<64x128xi32, #tpu.memory_space<vmem>>) target_semaphore(%arg9 : memref<!tpu.dma_semaphore, #tpu.memory_space<semaphore_mem>>)
    %dma_wait3A_306 = arith.constant 0 : i32
    %dma_wait3A_307 = arith.constant 0 : i32
    %dma_wait3A_308 = tpu.memref_slice %arg7[%dma_wait3A_306, %dma_wait3A_307] : memref<256x128xi32, #tpu.memory_space<vmem>> -> memref<64x128xi32, #tpu.memory_space<vmem>>
    %dma_wait3A_309 = arith.constant 0 : i32
    %dma_wait3A_310 = tpu.memref_slice %arg2[%add3A_118, %dma_wait3A_309] : memref<32768x128xi32, #tpu.memory_space<hbm>> -> memref<64x128xi32, #tpu.memory_space<hbm>>
    %dma_wait3A_311 = arith.constant 0 : i32
    %dma_wait3A_312 = arith.constant 0 : i32
    %dma_wait3A_313 = tpu.memref_slice %arg7[%dma_wait3A_311, %dma_wait3A_312] : memref<256x128xi32, #tpu.memory_space<vmem>> -> memref<64x128xi32, #tpu.memory_space<vmem>>
    %dma_wait3A_314 = arith.constant 0 : i32
    %dma_wait3A_315 = tpu.memref_slice %arg2[%add3A_118, %dma_wait3A_314] : memref<32768x128xi32, #tpu.memory_space<hbm>> -> memref<64x128xi32, #tpu.memory_space<hbm>>
    tpu.wait_dma2 semaphore(%arg10 : memref<!tpu.dma_semaphore, #tpu.memory_space<semaphore_mem>>) src(%dma_wait3A_315 : memref<64x128xi32, #tpu.memory_space<hbm>>) dst(%dma_wait3A_313 : memref<64x128xi32, #tpu.memory_space<vmem>>)
    %dma_wait3A_316 = arith.constant 64 : i32
    %dma_wait3A_317 = arith.constant 0 : i32
    %dma_wait3A_318 = tpu.memref_slice %arg7[%dma_wait3A_316, %dma_wait3A_317] : memref<256x128xi32, #tpu.memory_space<vmem>> -> memref<64x128xi32, #tpu.memory_space<vmem>>
    %dma_wait3A_319 = arith.constant 0 : i32
    %dma_wait3A_320 = tpu.memref_slice %arg2[%add3A_137, %dma_wait3A_319] : memref<32768x128xi32, #tpu.memory_space<hbm>> -> memref<64x128xi32, #tpu.memory_space<hbm>>
    %dma_wait3A_321 = arith.constant 64 : i32
    %dma_wait3A_322 = arith.constant 0 : i32
    %dma_wait3A_323 = tpu.memref_slice %arg7[%dma_wait3A_321, %dma_wait3A_322] : memref<256x128xi32, #tpu.memory_space<vmem>> -> memref<64x128xi32, #tpu.memory_space<vmem>>
    %dma_wait3A_324 = arith.constant 0 : i32
    %dma_wait3A_325 = tpu.memref_slice %arg2[%add3A_137, %dma_wait3A_324] : memref<32768x128xi32, #tpu.memory_space<hbm>> -> memref<64x128xi32, #tpu.memory_space<hbm>>
    tpu.wait_dma2 semaphore(%arg10 : memref<!tpu.dma_semaphore, #tpu.memory_space<semaphore_mem>>) src(%dma_wait3A_325 : memref<64x128xi32, #tpu.memory_space<hbm>>) dst(%dma_wait3A_323 : memref<64x128xi32, #tpu.memory_space<vmem>>)
    %dma_wait3A_326 = arith.constant 128 : i32
    %dma_wait3A_327 = arith.constant 0 : i32
    %dma_wait3A_328 = tpu.memref_slice %arg7[%dma_wait3A_326, %dma_wait3A_327] : memref<256x128xi32, #tpu.memory_space<vmem>> -> memref<64x128xi32, #tpu.memory_space<vmem>>
    %dma_wait3A_329 = arith.constant 0 : i32
    %dma_wait3A_330 = tpu.memref_slice %arg2[%add3A_156, %dma_wait3A_329] : memref<32768x128xi32, #tpu.memory_space<hbm>> -> memref<64x128xi32, #tpu.memory_space<hbm>>
    %dma_wait3A_331 = arith.constant 128 : i32
    %dma_wait3A_332 = arith.constant 0 : i32
    %dma_wait3A_333 = tpu.memref_slice %arg7[%dma_wait3A_331, %dma_wait3A_332] : memref<256x128xi32, #tpu.memory_space<vmem>> -> memref<64x128xi32, #tpu.memory_space<vmem>>
    %dma_wait3A_334 = arith.constant 0 : i32
    %dma_wait3A_335 = tpu.memref_slice %arg2[%add3A_156, %dma_wait3A_334] : memref<32768x128xi32, #tpu.memory_space<hbm>> -> memref<64x128xi32, #tpu.memory_space<hbm>>
    tpu.wait_dma2 semaphore(%arg10 : memref<!tpu.dma_semaphore, #tpu.memory_space<semaphore_mem>>) src(%dma_wait3A_335 : memref<64x128xi32, #tpu.memory_space<hbm>>) dst(%dma_wait3A_333 : memref<64x128xi32, #tpu.memory_space<vmem>>)
    %dma_wait3A_336 = arith.constant 192 : i32
    %dma_wait3A_337 = arith.constant 0 : i32
    %dma_wait3A_338 = tpu.memref_slice %arg7[%dma_wait3A_336, %dma_wait3A_337] : memref<256x128xi32, #tpu.memory_space<vmem>> -> memref<64x128xi32, #tpu.memory_space<vmem>>
    %dma_wait3A_339 = arith.constant 0 : i32
    %dma_wait3A_340 = tpu.memref_slice %arg2[%add3A_175, %dma_wait3A_339] : memref<32768x128xi32, #tpu.memory_space<hbm>> -> memref<64x128xi32, #tpu.memory_space<hbm>>
    %dma_wait3A_341 = arith.constant 192 : i32
    %dma_wait3A_342 = arith.constant 0 : i32
    %dma_wait3A_343 = tpu.memref_slice %arg7[%dma_wait3A_341, %dma_wait3A_342] : memref<256x128xi32, #tpu.memory_space<vmem>> -> memref<64x128xi32, #tpu.memory_space<vmem>>
    %dma_wait3A_344 = arith.constant 0 : i32
    %dma_wait3A_345 = tpu.memref_slice %arg2[%add3A_175, %dma_wait3A_344] : memref<32768x128xi32, #tpu.memory_space<hbm>> -> memref<64x128xi32, #tpu.memory_space<hbm>>
    tpu.wait_dma2 semaphore(%arg10 : memref<!tpu.dma_semaphore, #tpu.memory_space<semaphore_mem>>) src(%dma_wait3A_345 : memref<64x128xi32, #tpu.memory_space<hbm>>) dst(%dma_wait3A_343 : memref<64x128xi32, #tpu.memory_space<vmem>>)
    %scan3A_346 = arith.constant 0 : i32
    %scan3A_347 = arith.constant 0 : i32
    %scan3A_348 = arith.constant 64 : i32
    %scan3A_349 = arith.addi %scan3A_347, %scan3A_348 : i32
    %scan3A_350 = arith.constant 1 : i32
    scf.for %scan3A_522 = %scan3A_347 to %scan3A_349 step %scan3A_350  : i32 {
      %add3A_523 = arith.constant 64 : i32
      %add3A_524 = arith.addi %add3A_523, %scan3A_522 : i32
      %mul3A_525 = arith.constant 10 : i32
      %mul3A_526 = arith.muli %add3A_524, %mul3A_525 : i32
      %get3A = arith.index_cast %mul3A_526 : i32 to index
      %get3A_527 = tpu.vector_load %arg5[%get3A] {strides = array<i32>} : memref<2576xi32, #tpu.memory_space<vmem>>, vector<16xi32>,
      %and3A_528 = arith.constant 7 : i32
      %and3A_529 = vector.broadcast %and3A_528 : i32 to vector<16xi32>
      %and3A_530 = arith.andi %get3A_527, %and3A_529 : vector<16xi32>
      %shift_left3A = arith.constant 7 : i32
      %shift_left3A_531 = vector.broadcast %shift_left3A : i32 to vector<16xi32>
      %shift_left3A_532 = arith.shli %and3A_530, %shift_left3A_531 : vector<16xi32>
      %shift_right_logical3A = arith.constant 3 : i32
      %shift_right_logical3A_533 = vector.broadcast %shift_right_logical3A : i32 to vector<16xi32>
      %shift_right_logical3A_534 = arith.shrui %get3A_527, %shift_right_logical3A_533 : vector<16xi32>
      %or3A = arith.ori %shift_left3A_532, %shift_right_logical3A_534 : vector<16xi32>
      %broadcast_in_dim3A = arith.constant 0 : i32
      %broadcast_in_dim3A_535 = vector.broadcast %broadcast_in_dim3A : i32 to vector<16xi32>
      %add3A_536 = arith.addi %mul3A_32, %add3A_524 : i32
      %add3A_537 = vector.broadcast %add3A_536 : i32 to vector<16xi32>
      %add3A_538 = arith.addi %broadcast_in_dim3A_535, %add3A_537 : vector<16xi32>
      %ge3A = arith.constant 10 : i32
      %ge3A_539 = vector.broadcast %ge3A : i32 to vector<16xi32>
      %ge3A_540 = arith.cmpi sge, %iota3A, %ge3A_539 : vector<16xi32>
      %select_n3A_541 = arith.select %ge3A_540, %add3A_538, %or3A : vector<16xi1>, vector<16xi32>
      %shift_right_logical3A_542 = arith.constant 8 : i32
      %shift_right_logical3A_543 = vector.broadcast %shift_right_logical3A_542 : i32 to vector<16xi32>
      %shift_right_logical3A_544 = arith.shrui %select_n3A_541, %shift_right_logical3A_543 : vector<16xi32>
      %mul3A_545 = arith.constant 64 : i32
      %mul3A_546 = vector.broadcast %mul3A_545 : i32 to vector<16xi32>
      %mul3A_547 = arith.muli %shift_right_logical3A_544, %mul3A_546 : vector<16xi32>
      %add3A_548 = vector.broadcast %scan3A_522 : i32 to vector<16xi32>
      %add3A_549 = arith.addi %mul3A_547, %add3A_548 : vector<16xi32>
      %and3A_550 = arith.constant 127 : i32
      %and3A_551 = vector.broadcast %and3A_550 : i32 to vector<16xi32>
      %and3A_552 = arith.andi %select_n3A_541, %and3A_551 : vector<16xi32>
      %gather3A = tpu.vector_load_idx %arg7[%add3A_549, %and3A_552] : memref<256x128xi32, #tpu.memory_space<vmem>>[vector<16xi32>, vector<16xi32>], vector<16xi32>,
      %shift_right_logical3A_553 = arith.constant 7 : i32
      %shift_right_logical3A_554 = vector.broadcast %shift_right_logical3A_553 : i32 to vector<16xi32>
      %shift_right_logical3A_555 = arith.shrui %select_n3A_541, %shift_right_logical3A_554 : vector<16xi32>
      %and3A_556 = arith.constant 1 : i32
      %and3A_557 = vector.broadcast %and3A_556 : i32 to vector<16xi32>
      %and3A_558 = arith.andi %shift_right_logical3A_555, %and3A_557 : vector<16xi32>
      %mul3A_559 = arith.constant 16 : i32
      %mul3A_560 = vector.broadcast %mul3A_559 : i32 to vector<16xi32>
      %mul3A_561 = arith.muli %and3A_558, %mul3A_560 : vector<16xi32>
      %shift_right_logical3A_562 = arith.shrui %gather3A, %mul3A_561 : vector<16xi32>
      %and3A_563 = arith.constant 65535 : i32
      %and3A_564 = vector.broadcast %and3A_563 : i32 to vector<16xi32>
      %and3A_565 = arith.andi %shift_right_logical3A_562, %and3A_564 : vector<16xi32>
      %shift_left3A_566 = arith.constant 16 : i32
      %shift_left3A_567 = vector.broadcast %shift_left3A_566 : i32 to vector<16xi32>
      %shift_left3A_568 = arith.shli %and3A_565, %shift_left3A_567 : vector<16xi32>
      %bitcast3A = vector.bitcast %shift_left3A_568 : vector<16xi32> to vector<16xf32>
      %gt3A = arith.constant 10 : i32
      %gt3A_569 = vector.broadcast %gt3A : i32 to vector<16xi32>
      %gt3A_570 = arith.cmpi sgt, %iota3A, %gt3A_569 : vector<16xi32>
      %lt3A_571 = arith.constant 10 : i32
      %lt3A_572 = vector.broadcast %lt3A_571 : i32 to vector<16xi32>
      %lt3A_573 = arith.cmpi slt, %iota3A, %lt3A_572 : vector<16xi32>
      %eq3A_574 = arith.cmpi eq, %select_n3A_541, %add3A_538 : vector<16xi32>
      %and3A_575 = arith.andi %lt3A_573, %eq3A_574 : vector<16xi1>
      %or3A_576 = arith.ori %gt3A_570, %and3A_575 : vector<16xi1>
      %jit3A_577 = arith.constant 0xFF800000 : f32
      %broadcast_in_dim3A_578 = vector.broadcast %jit3A_577 : f32 to vector<16xf32>
      %select_n3A_579 = arith.select %or3A_576, %broadcast_in_dim3A_578, %bitcast3A : vector<16xi1>, vector<16xf32>
      %jit3A_580 = arith.constant 8 : i32
      %div3A_581 = arith.divsi %add3A_524, %jit3A_580 : i32
      %sign3A_582 = arith.constant 0 : i32
      %sign3A_583 = arith.cmpi sgt, %add3A_524, %sign3A_582 : i32
      %sign3A_584 = arith.extui %sign3A_583 : i1 to i32
      %sign3A_585 = arith.constant 0 : i32
      %sign3A_586 = arith.cmpi slt, %add3A_524, %sign3A_585 : i32
      %sign3A_587 = arith.extui %sign3A_586 : i1 to i32
      %sign3A_588 = arith.subi %sign3A_584, %sign3A_587 : i32
      %sign3A_589 = arith.constant 0 : i32
      %sign3A_590 = arith.cmpi sgt, %jit3A_580, %sign3A_589 : i32
      %sign3A_591 = arith.extui %sign3A_590 : i1 to i32
      %sign3A_592 = arith.constant 0 : i32
      %sign3A_593 = arith.cmpi slt, %jit3A_580, %sign3A_592 : i32
      %sign3A_594 = arith.extui %sign3A_593 : i1 to i32
      %sign3A_595 = arith.subi %sign3A_591, %sign3A_594 : i32
      %ne3A_596 = arith.cmpi ne, %sign3A_588, %sign3A_595 : i32
      %rem3A_597 = arith.remsi %add3A_524, %jit3A_580 : i32
      %ne3A_598 = arith.constant 0 : i32
      %ne3A_599 = arith.cmpi ne, %rem3A_597, %ne3A_598 : i32
      %and3A_600 = arith.andi %ne3A_596, %ne3A_599 : i1
      %sub3A_601 = arith.constant 1 : i32
      %sub3A_602 = arith.subi %div3A_581, %sub3A_601 : i32
      %select_n3A_603 = arith.select %and3A_600, %sub3A_602, %div3A_581 : i32
      %jit3A_604 = arith.constant 8 : i32
      %eq3A_605 = arith.constant 0 : i32
      %eq3A_606 = arith.cmpi eq, %jit3A_604, %eq3A_605 : i32
      %jit3A_607 = arith.constant 1 : i32
      %select_n3A_608 = arith.select %eq3A_606, %jit3A_607, %jit3A_604 : i32
      %rem3A_609 = arith.remsi %add3A_524, %select_n3A_608 : i32
      %ne3A_610 = arith.constant 0 : i32
      %ne3A_611 = arith.cmpi ne, %rem3A_609, %ne3A_610 : i32
      %lt3A_612 = arith.constant 0 : i32
      %lt3A_613 = arith.cmpi slt, %rem3A_609, %lt3A_612 : i32
      %lt3A_614 = arith.constant 0 : i32
      %lt3A_615 = arith.cmpi slt, %select_n3A_608, %lt3A_614 : i32
      %ne3A_616 = arith.xori %lt3A_613, %lt3A_615 : i1
      %and3A_617 = arith.andi %ne3A_616, %ne3A_611 : i1
      %add3A_618 = arith.addi %rem3A_609, %select_n3A_608 : i32
      %select_n3A_619 = arith.select %and3A_617, %add3A_618, %rem3A_609 : i32
      %mul3A_620 = arith.constant 16 : i32
      %mul3A_621 = arith.muli %select_n3A_619, %mul3A_620 : i32
      %swap3A = arith.index_cast %select_n3A_603 : i32 to index
      %swap3A_622 = arith.index_cast %mul3A_621 : i32 to index
      %swap3A_623 = tpu.vector_load %arg8[%swap3A, %swap3A_622] {strides = array<i32>} : memref<32x128xf32, #tpu.memory_space<vmem>>, vector<16xf32>,
      tpu.vector_store %arg8[%swap3A, %swap3A_622], %select_n3A_579 {strides = array<i32>} : memref<32x128xf32, #tpu.memory_space<vmem>>, vector<16xf32>,
    }
    %scan3A_351 = arith.constant 64 : i32
    %mul3A_352 = arith.constant 4 : i32
    %mul3A_353 = arith.muli %select_n3A, %mul3A_352 : i32
    %add3A_354 = arith.constant 0 : i32
    %add3A_355 = arith.addi %mul3A_353, %add3A_354 : i32
    %mul3A_356 = arith.constant 1024 : i32
    %mul3A_357 = arith.muli %add3A_355, %mul3A_356 : i32
    %add3A_358 = arith.addi %mul3A_357, %mul3A_32 : i32
    %add3A_359 = arith.constant 192 : i32
    %add3A_360 = arith.addi %add3A_358, %add3A_359 : i32
    %dma_start3A_361 = arith.constant 0 : i32
    %dma_start3A_362 = arith.constant 0 : i32
    %dma_start3A_363 = tpu.memref_slice %arg7[%dma_start3A_361, %dma_start3A_362] : memref<256x128xi32, #tpu.memory_space<vmem>> -> memref<64x128xi32, #tpu.memory_space<vmem>>
    %dma_start3A_364 = arith.constant 0 : i32
    %dma_start3A_365 = tpu.memref_slice %arg2[%add3A_360, %dma_start3A_364] : memref<32768x128xi32, #tpu.memory_space<hbm>> -> memref<64x128xi32, #tpu.memory_space<hbm>>
    %dma_start3A_366 = arith.constant 0 : i32
    %dma_start3A_367 = arith.constant 0 : i32
    %dma_start3A_368 = tpu.memref_slice %arg7[%dma_start3A_366, %dma_start3A_367] : memref<256x128xi32, #tpu.memory_space<vmem>> -> memref<64x128xi32, #tpu.memory_space<vmem>>
    %dma_start3A_369 = arith.constant 0 : i32
    %dma_start3A_370 = tpu.memref_slice %arg2[%add3A_360, %dma_start3A_369] : memref<32768x128xi32, #tpu.memory_space<hbm>> -> memref<64x128xi32, #tpu.memory_space<hbm>>
    tpu.enqueue_dma source(%dma_start3A_370 : memref<64x128xi32, #tpu.memory_space<hbm>>) target(%dma_start3A_368 : memref<64x128xi32, #tpu.memory_space<vmem>>) target_semaphore(%arg10 : memref<!tpu.dma_semaphore, #tpu.memory_space<semaphore_mem>>)
    %mul3A_371 = arith.constant 4 : i32
    %mul3A_372 = arith.muli %select_n3A, %mul3A_371 : i32
    %add3A_373 = arith.constant 1 : i32
    %add3A_374 = arith.addi %mul3A_372, %add3A_373 : i32
    %mul3A_375 = arith.constant 1024 : i32
    %mul3A_376 = arith.muli %add3A_374, %mul3A_375 : i32
    %add3A_377 = arith.addi %mul3A_376, %mul3A_32 : i32
    %add3A_378 = arith.constant 192 : i32
    %add3A_379 = arith.addi %add3A_377, %add3A_378 : i32
    %dma_start3A_380 = arith.constant 64 : i32
    %dma_start3A_381 = arith.constant 0 : i32
    %dma_start3A_382 = tpu.memref_slice %arg7[%dma_start3A_380, %dma_start3A_381] : memref<256x128xi32, #tpu.memory_space<vmem>> -> memref<64x128xi32, #tpu.memory_space<vmem>>
    %dma_start3A_383 = arith.constant 0 : i32
    %dma_start3A_384 = tpu.memref_slice %arg2[%add3A_379, %dma_start3A_383] : memref<32768x128xi32, #tpu.memory_space<hbm>> -> memref<64x128xi32, #tpu.memory_space<hbm>>
    %dma_start3A_385 = arith.constant 64 : i32
    %dma_start3A_386 = arith.constant 0 : i32
    %dma_start3A_387 = tpu.memref_slice %arg7[%dma_start3A_385, %dma_start3A_386] : memref<256x128xi32, #tpu.memory_space<vmem>> -> memref<64x128xi32, #tpu.memory_space<vmem>>
    %dma_start3A_388 = arith.constant 0 : i32
    %dma_start3A_389 = tpu.memref_slice %arg2[%add3A_379, %dma_start3A_388] : memref<32768x128xi32, #tpu.memory_space<hbm>> -> memref<64x128xi32, #tpu.memory_space<hbm>>
    tpu.enqueue_dma source(%dma_start3A_389 : memref<64x128xi32, #tpu.memory_space<hbm>>) target(%dma_start3A_387 : memref<64x128xi32, #tpu.memory_space<vmem>>) target_semaphore(%arg10 : memref<!tpu.dma_semaphore, #tpu.memory_space<semaphore_mem>>)
    %mul3A_390 = arith.constant 4 : i32
    %mul3A_391 = arith.muli %select_n3A, %mul3A_390 : i32
    %add3A_392 = arith.constant 2 : i32
    %add3A_393 = arith.addi %mul3A_391, %add3A_392 : i32
    %mul3A_394 = arith.constant 1024 : i32
    %mul3A_395 = arith.muli %add3A_393, %mul3A_394 : i32
    %add3A_396 = arith.addi %mul3A_395, %mul3A_32 : i32
    %add3A_397 = arith.constant 192 : i32
    %add3A_398 = arith.addi %add3A_396, %add3A_397 : i32
    %dma_start3A_399 = arith.constant 128 : i32
    %dma_start3A_400 = arith.constant 0 : i32
    %dma_start3A_401 = tpu.memref_slice %arg7[%dma_start3A_399, %dma_start3A_400] : memref<256x128xi32, #tpu.memory_space<vmem>> -> memref<64x128xi32, #tpu.memory_space<vmem>>
    %dma_start3A_402 = arith.constant 0 : i32
    %dma_start3A_403 = tpu.memref_slice %arg2[%add3A_398, %dma_start3A_402] : memref<32768x128xi32, #tpu.memory_space<hbm>> -> memref<64x128xi32, #tpu.memory_space<hbm>>
    %dma_start3A_404 = arith.constant 128 : i32
    %dma_start3A_405 = arith.constant 0 : i32
    %dma_start3A_406 = tpu.memref_slice %arg7[%dma_start3A_404, %dma_start3A_405] : memref<256x128xi32, #tpu.memory_space<vmem>> -> memref<64x128xi32, #tpu.memory_space<vmem>>
    %dma_start3A_407 = arith.constant 0 : i32
    %dma_start3A_408 = tpu.memref_slice %arg2[%add3A_398, %dma_start3A_407] : memref<32768x128xi32, #tpu.memory_space<hbm>> -> memref<64x128xi32, #tpu.memory_space<hbm>>
    tpu.enqueue_dma source(%dma_start3A_408 : memref<64x128xi32, #tpu.memory_space<hbm>>) target(%dma_start3A_406 : memref<64x128xi32, #tpu.memory_space<vmem>>) target_semaphore(%arg10 : memref<!tpu.dma_semaphore, #tpu.memory_space<semaphore_mem>>)
    %mul3A_409 = arith.constant 4 : i32
    %mul3A_410 = arith.muli %select_n3A, %mul3A_409 : i32
    %add3A_411 = arith.constant 3 : i32
    %add3A_412 = arith.addi %mul3A_410, %add3A_411 : i32
    %mul3A_413 = arith.constant 1024 : i32
    %mul3A_414 = arith.muli %add3A_412, %mul3A_413 : i32
    %add3A_415 = arith.addi %mul3A_414, %mul3A_32 : i32
    %add3A_416 = arith.constant 192 : i32
    %add3A_417 = arith.addi %add3A_415, %add3A_416 : i32
    %dma_start3A_418 = arith.constant 192 : i32
    %dma_start3A_419 = arith.constant 0 : i32
    %dma_start3A_420 = tpu.memref_slice %arg7[%dma_start3A_418, %dma_start3A_419] : memref<256x128xi32, #tpu.memory_space<vmem>> -> memref<64x128xi32, #tpu.memory_space<vmem>>
    %dma_start3A_421 = arith.constant 0 : i32
    %dma_start3A_422 = tpu.memref_slice %arg2[%add3A_417, %dma_start3A_421] : memref<32768x128xi32, #tpu.memory_space<hbm>> -> memref<64x128xi32, #tpu.memory_space<hbm>>
    %dma_start3A_423 = arith.constant 192 : i32
    %dma_start3A_424 = arith.constant 0 : i32
    %dma_start3A_425 = tpu.memref_slice %arg7[%dma_start3A_423, %dma_start3A_424] : memref<256x128xi32, #tpu.memory_space<vmem>> -> memref<64x128xi32, #tpu.memory_space<vmem>>
    %dma_start3A_426 = arith.constant 0 : i32
    %dma_start3A_427 = tpu.memref_slice %arg2[%add3A_417, %dma_start3A_426] : memref<32768x128xi32, #tpu.memory_space<hbm>> -> memref<64x128xi32, #tpu.memory_space<hbm>>
    tpu.enqueue_dma source(%dma_start3A_427 : memref<64x128xi32, #tpu.memory_space<hbm>>) target(%dma_start3A_425 : memref<64x128xi32, #tpu.memory_space<vmem>>) target_semaphore(%arg10 : memref<!tpu.dma_semaphore, #tpu.memory_space<semaphore_mem>>)
    %dma_wait3A_428 = arith.constant 0 : i32
    %dma_wait3A_429 = arith.constant 0 : i32
    %dma_wait3A_430 = tpu.memref_slice %arg6[%dma_wait3A_428, %dma_wait3A_429] : memref<256x128xi32, #tpu.memory_space<vmem>> -> memref<64x128xi32, #tpu.memory_space<vmem>>
    %dma_wait3A_431 = arith.constant 0 : i32
    %dma_wait3A_432 = tpu.memref_slice %arg2[%add3A_238, %dma_wait3A_431] : memref<32768x128xi32, #tpu.memory_space<hbm>> -> memref<64x128xi32, #tpu.memory_space<hbm>>
    %dma_wait3A_433 = arith.constant 0 : i32
    %dma_wait3A_434 = arith.constant 0 : i32
    %dma_wait3A_435 = tpu.memref_slice %arg6[%dma_wait3A_433, %dma_wait3A_434] : memref<256x128xi32, #tpu.memory_space<vmem>> -> memref<64x128xi32, #tpu.memory_space<vmem>>
    %dma_wait3A_436 = arith.constant 0 : i32
    %dma_wait3A_437 = tpu.memref_slice %arg2[%add3A_238, %dma_wait3A_436] : memref<32768x128xi32, #tpu.memory_space<hbm>> -> memref<64x128xi32, #tpu.memory_space<hbm>>
    tpu.wait_dma2 semaphore(%arg9 : memref<!tpu.dma_semaphore, #tpu.memory_space<semaphore_mem>>) src(%dma_wait3A_437 : memref<64x128xi32, #tpu.memory_space<hbm>>) dst(%dma_wait3A_435 : memref<64x128xi32, #tpu.memory_space<vmem>>)
    %dma_wait3A_438 = arith.constant 64 : i32
    %dma_wait3A_439 = arith.constant 0 : i32
    %dma_wait3A_440 = tpu.memref_slice %arg6[%dma_wait3A_438, %dma_wait3A_439] : memref<256x128xi32, #tpu.memory_space<vmem>> -> memref<64x128xi32, #tpu.memory_space<vmem>>
    %dma_wait3A_441 = arith.constant 0 : i32
    %dma_wait3A_442 = tpu.memref_slice %arg2[%add3A_257, %dma_wait3A_441] : memref<32768x128xi32, #tpu.memory_space<hbm>> -> memref<64x128xi32, #tpu.memory_space<hbm>>
    %dma_wait3A_443 = arith.constant 64 : i32
    %dma_wait3A_444 = arith.constant 0 : i32
    %dma_wait3A_445 = tpu.memref_slice %arg6[%dma_wait3A_443, %dma_wait3A_444] : memref<256x128xi32, #tpu.memory_space<vmem>> -> memref<64x128xi32, #tpu.memory_space<vmem>>
    %dma_wait3A_446 = arith.constant 0 : i32
    %dma_wait3A_447 = tpu.memref_slice %arg2[%add3A_257, %dma_wait3A_446] : memref<32768x128xi32, #tpu.memory_space<hbm>> -> memref<64x128xi32, #tpu.memory_space<hbm>>
    tpu.wait_dma2 semaphore(%arg9 : memref<!tpu.dma_semaphore, #tpu.memory_space<semaphore_mem>>) src(%dma_wait3A_447 : memref<64x128xi32, #tpu.memory_space<hbm>>) dst(%dma_wait3A_445 : memref<64x128xi32, #tpu.memory_space<vmem>>)
    %dma_wait3A_448 = arith.constant 128 : i32
    %dma_wait3A_449 = arith.constant 0 : i32
    %dma_wait3A_450 = tpu.memref_slice %arg6[%dma_wait3A_448, %dma_wait3A_449] : memref<256x128xi32, #tpu.memory_space<vmem>> -> memref<64x128xi32, #tpu.memory_space<vmem>>
    %dma_wait3A_451 = arith.constant 0 : i32
    %dma_wait3A_452 = tpu.memref_slice %arg2[%add3A_276, %dma_wait3A_451] : memref<32768x128xi32, #tpu.memory_space<hbm>> -> memref<64x128xi32, #tpu.memory_space<hbm>>
    %dma_wait3A_453 = arith.constant 128 : i32
    %dma_wait3A_454 = arith.constant 0 : i32
    %dma_wait3A_455 = tpu.memref_slice %arg6[%dma_wait3A_453, %dma_wait3A_454] : memref<256x128xi32, #tpu.memory_space<vmem>> -> memref<64x128xi32, #tpu.memory_space<vmem>>
    %dma_wait3A_456 = arith.constant 0 : i32
    %dma_wait3A_457 = tpu.memref_slice %arg2[%add3A_276, %dma_wait3A_456] : memref<32768x128xi32, #tpu.memory_space<hbm>> -> memref<64x128xi32, #tpu.memory_space<hbm>>
    tpu.wait_dma2 semaphore(%arg9 : memref<!tpu.dma_semaphore, #tpu.memory_space<semaphore_mem>>) src(%dma_wait3A_457 : memref<64x128xi32, #tpu.memory_space<hbm>>) dst(%dma_wait3A_455 : memref<64x128xi32, #tpu.memory_space<vmem>>)
    %dma_wait3A_458 = arith.constant 192 : i32
    %dma_wait3A_459 = arith.constant 0 : i32
    %dma_wait3A_460 = tpu.memref_slice %arg6[%dma_wait3A_458, %dma_wait3A_459] : memref<256x128xi32, #tpu.memory_space<vmem>> -> memref<64x128xi32, #tpu.memory_space<vmem>>
    %dma_wait3A_461 = arith.constant 0 : i32
    %dma_wait3A_462 = tpu.memref_slice %arg2[%add3A_295, %dma_wait3A_461] : memref<32768x128xi32, #tpu.memory_space<hbm>> -> memref<64x128xi32, #tpu.memory_space<hbm>>
    %dma_wait3A_463 = arith.constant 192 : i32
    %dma_wait3A_464 = arith.constant 0 : i32
    %dma_wait3A_465 = tpu.memref_slice %arg6[%dma_wait3A_463, %dma_wait3A_464] : memref<256x128xi32, #tpu.memory_space<vmem>> -> memref<64x128xi32, #tpu.memory_space<vmem>>
    %dma_wait3A_466 = arith.constant 0 : i32
    %dma_wait3A_467 = tpu.memref_slice %arg2[%add3A_295, %dma_wait3A_466] : memref<32768x128xi32, #tpu.memory_space<hbm>> -> memref<64x128xi32, #tpu.memory_space<hbm>>
    tpu.wait_dma2 semaphore(%arg9 : memref<!tpu.dma_semaphore, #tpu.memory_space<semaphore_mem>>) src(%dma_wait3A_467 : memref<64x128xi32, #tpu.memory_space<hbm>>) dst(%dma_wait3A_465 : memref<64x128xi32, #tpu.memory_space<vmem>>)
    %scan3A_468 = arith.constant 0 : i32
    %scan3A_469 = arith.constant 0 : i32
    %scan3A_470 = arith.constant 64 : i32
    %scan3A_471 = arith.addi %scan3A_469, %scan3A_470 : i32
    %scan3A_472 = arith.constant 1 : i32
    scf.for %scan3A_522 = %scan3A_469 to %scan3A_471 step %scan3A_472  : i32 {
      %add3A_523 = arith.constant 128 : i32
      %add3A_524 = arith.addi %add3A_523, %scan3A_522 : i32
      %mul3A_525 = arith.constant 10 : i32
      %mul3A_526 = arith.muli %add3A_524, %mul3A_525 : i32
      %get3A = arith.index_cast %mul3A_526 : i32 to index
      %get3A_527 = tpu.vector_load %arg5[%get3A] {strides = array<i32>} : memref<2576xi32, #tpu.memory_space<vmem>>, vector<16xi32>,
      %and3A_528 = arith.constant 7 : i32
      %and3A_529 = vector.broadcast %and3A_528 : i32 to vector<16xi32>
      %and3A_530 = arith.andi %get3A_527, %and3A_529 : vector<16xi32>
      %shift_left3A = arith.constant 7 : i32
      %shift_left3A_531 = vector.broadcast %shift_left3A : i32 to vector<16xi32>
      %shift_left3A_532 = arith.shli %and3A_530, %shift_left3A_531 : vector<16xi32>
      %shift_right_logical3A = arith.constant 3 : i32
      %shift_right_logical3A_533 = vector.broadcast %shift_right_logical3A : i32 to vector<16xi32>
      %shift_right_logical3A_534 = arith.shrui %get3A_527, %shift_right_logical3A_533 : vector<16xi32>
      %or3A = arith.ori %shift_left3A_532, %shift_right_logical3A_534 : vector<16xi32>
      %broadcast_in_dim3A = arith.constant 0 : i32
      %broadcast_in_dim3A_535 = vector.broadcast %broadcast_in_dim3A : i32 to vector<16xi32>
      %add3A_536 = arith.addi %mul3A_32, %add3A_524 : i32
      %add3A_537 = vector.broadcast %add3A_536 : i32 to vector<16xi32>
      %add3A_538 = arith.addi %broadcast_in_dim3A_535, %add3A_537 : vector<16xi32>
      %ge3A = arith.constant 10 : i32
      %ge3A_539 = vector.broadcast %ge3A : i32 to vector<16xi32>
      %ge3A_540 = arith.cmpi sge, %iota3A, %ge3A_539 : vector<16xi32>
      %select_n3A_541 = arith.select %ge3A_540, %add3A_538, %or3A : vector<16xi1>, vector<16xi32>
      %shift_right_logical3A_542 = arith.constant 8 : i32
      %shift_right_logical3A_543 = vector.broadcast %shift_right_logical3A_542 : i32 to vector<16xi32>
      %shift_right_logical3A_544 = arith.shrui %select_n3A_541, %shift_right_logical3A_543 : vector<16xi32>
      %mul3A_545 = arith.constant 64 : i32
      %mul3A_546 = vector.broadcast %mul3A_545 : i32 to vector<16xi32>
      %mul3A_547 = arith.muli %shift_right_logical3A_544, %mul3A_546 : vector<16xi32>
      %add3A_548 = vector.broadcast %scan3A_522 : i32 to vector<16xi32>
      %add3A_549 = arith.addi %mul3A_547, %add3A_548 : vector<16xi32>
      %and3A_550 = arith.constant 127 : i32
      %and3A_551 = vector.broadcast %and3A_550 : i32 to vector<16xi32>
      %and3A_552 = arith.andi %select_n3A_541, %and3A_551 : vector<16xi32>
      %gather3A = tpu.vector_load_idx %arg6[%add3A_549, %and3A_552] : memref<256x128xi32, #tpu.memory_space<vmem>>[vector<16xi32>, vector<16xi32>], vector<16xi32>,
      %shift_right_logical3A_553 = arith.constant 7 : i32
      %shift_right_logical3A_554 = vector.broadcast %shift_right_logical3A_553 : i32 to vector<16xi32>
      %shift_right_logical3A_555 = arith.shrui %select_n3A_541, %shift_right_logical3A_554 : vector<16xi32>
      %and3A_556 = arith.constant 1 : i32
      %and3A_557 = vector.broadcast %and3A_556 : i32 to vector<16xi32>
      %and3A_558 = arith.andi %shift_right_logical3A_555, %and3A_557 : vector<16xi32>
      %mul3A_559 = arith.constant 16 : i32
      %mul3A_560 = vector.broadcast %mul3A_559 : i32 to vector<16xi32>
      %mul3A_561 = arith.muli %and3A_558, %mul3A_560 : vector<16xi32>
      %shift_right_logical3A_562 = arith.shrui %gather3A, %mul3A_561 : vector<16xi32>
      %and3A_563 = arith.constant 65535 : i32
      %and3A_564 = vector.broadcast %and3A_563 : i32 to vector<16xi32>
      %and3A_565 = arith.andi %shift_right_logical3A_562, %and3A_564 : vector<16xi32>
      %shift_left3A_566 = arith.constant 16 : i32
      %shift_left3A_567 = vector.broadcast %shift_left3A_566 : i32 to vector<16xi32>
      %shift_left3A_568 = arith.shli %and3A_565, %shift_left3A_567 : vector<16xi32>
      %bitcast3A = vector.bitcast %shift_left3A_568 : vector<16xi32> to vector<16xf32>
      %gt3A = arith.constant 10 : i32
      %gt3A_569 = vector.broadcast %gt3A : i32 to vector<16xi32>
      %gt3A_570 = arith.cmpi sgt, %iota3A, %gt3A_569 : vector<16xi32>
      %lt3A_571 = arith.constant 10 : i32
      %lt3A_572 = vector.broadcast %lt3A_571 : i32 to vector<16xi32>
      %lt3A_573 = arith.cmpi slt, %iota3A, %lt3A_572 : vector<16xi32>
      %eq3A_574 = arith.cmpi eq, %select_n3A_541, %add3A_538 : vector<16xi32>
      %and3A_575 = arith.andi %lt3A_573, %eq3A_574 : vector<16xi1>
      %or3A_576 = arith.ori %gt3A_570, %and3A_575 : vector<16xi1>
      %jit3A_577 = arith.constant 0xFF800000 : f32
      %broadcast_in_dim3A_578 = vector.broadcast %jit3A_577 : f32 to vector<16xf32>
      %select_n3A_579 = arith.select %or3A_576, %broadcast_in_dim3A_578, %bitcast3A : vector<16xi1>, vector<16xf32>
      %jit3A_580 = arith.constant 8 : i32
      %div3A_581 = arith.divsi %add3A_524, %jit3A_580 : i32
      %sign3A_582 = arith.constant 0 : i32
      %sign3A_583 = arith.cmpi sgt, %add3A_524, %sign3A_582 : i32
      %sign3A_584 = arith.extui %sign3A_583 : i1 to i32
      %sign3A_585 = arith.constant 0 : i32
      %sign3A_586 = arith.cmpi slt, %add3A_524, %sign3A_585 : i32
      %sign3A_587 = arith.extui %sign3A_586 : i1 to i32
      %sign3A_588 = arith.subi %sign3A_584, %sign3A_587 : i32
      %sign3A_589 = arith.constant 0 : i32
      %sign3A_590 = arith.cmpi sgt, %jit3A_580, %sign3A_589 : i32
      %sign3A_591 = arith.extui %sign3A_590 : i1 to i32
      %sign3A_592 = arith.constant 0 : i32
      %sign3A_593 = arith.cmpi slt, %jit3A_580, %sign3A_592 : i32
      %sign3A_594 = arith.extui %sign3A_593 : i1 to i32
      %sign3A_595 = arith.subi %sign3A_591, %sign3A_594 : i32
      %ne3A_596 = arith.cmpi ne, %sign3A_588, %sign3A_595 : i32
      %rem3A_597 = arith.remsi %add3A_524, %jit3A_580 : i32
      %ne3A_598 = arith.constant 0 : i32
      %ne3A_599 = arith.cmpi ne, %rem3A_597, %ne3A_598 : i32
      %and3A_600 = arith.andi %ne3A_596, %ne3A_599 : i1
      %sub3A_601 = arith.constant 1 : i32
      %sub3A_602 = arith.subi %div3A_581, %sub3A_601 : i32
      %select_n3A_603 = arith.select %and3A_600, %sub3A_602, %div3A_581 : i32
      %jit3A_604 = arith.constant 8 : i32
      %eq3A_605 = arith.constant 0 : i32
      %eq3A_606 = arith.cmpi eq, %jit3A_604, %eq3A_605 : i32
      %jit3A_607 = arith.constant 1 : i32
      %select_n3A_608 = arith.select %eq3A_606, %jit3A_607, %jit3A_604 : i32
      %rem3A_609 = arith.remsi %add3A_524, %select_n3A_608 : i32
      %ne3A_610 = arith.constant 0 : i32
      %ne3A_611 = arith.cmpi ne, %rem3A_609, %ne3A_610 : i32
      %lt3A_612 = arith.constant 0 : i32
      %lt3A_613 = arith.cmpi slt, %rem3A_609, %lt3A_612 : i32
      %lt3A_614 = arith.constant 0 : i32
      %lt3A_615 = arith.cmpi slt, %select_n3A_608, %lt3A_614 : i32
      %ne3A_616 = arith.xori %lt3A_613, %lt3A_615 : i1
      %and3A_617 = arith.andi %ne3A_616, %ne3A_611 : i1
      %add3A_618 = arith.addi %rem3A_609, %select_n3A_608 : i32
      %select_n3A_619 = arith.select %and3A_617, %add3A_618, %rem3A_609 : i32
      %mul3A_620 = arith.constant 16 : i32
      %mul3A_621 = arith.muli %select_n3A_619, %mul3A_620 : i32
      %swap3A = arith.index_cast %select_n3A_603 : i32 to index
      %swap3A_622 = arith.index_cast %mul3A_621 : i32 to index
      %swap3A_623 = tpu.vector_load %arg8[%swap3A, %swap3A_622] {strides = array<i32>} : memref<32x128xf32, #tpu.memory_space<vmem>>, vector<16xf32>,
      tpu.vector_store %arg8[%swap3A, %swap3A_622], %select_n3A_579 {strides = array<i32>} : memref<32x128xf32, #tpu.memory_space<vmem>>, vector<16xf32>,
    }
    %scan3A_473 = arith.constant 64 : i32
    %dma_wait3A_474 = arith.constant 0 : i32
    %dma_wait3A_475 = arith.constant 0 : i32
    %dma_wait3A_476 = tpu.memref_slice %arg7[%dma_wait3A_474, %dma_wait3A_475] : memref<256x128xi32, #tpu.memory_space<vmem>> -> memref<64x128xi32, #tpu.memory_space<vmem>>
    %dma_wait3A_477 = arith.constant 0 : i32
    %dma_wait3A_478 = tpu.memref_slice %arg2[%add3A_360, %dma_wait3A_477] : memref<32768x128xi32, #tpu.memory_space<hbm>> -> memref<64x128xi32, #tpu.memory_space<hbm>>
    %dma_wait3A_479 = arith.constant 0 : i32
    %dma_wait3A_480 = arith.constant 0 : i32
    %dma_wait3A_481 = tpu.memref_slice %arg7[%dma_wait3A_479, %dma_wait3A_480] : memref<256x128xi32, #tpu.memory_space<vmem>> -> memref<64x128xi32, #tpu.memory_space<vmem>>
    %dma_wait3A_482 = arith.constant 0 : i32
    %dma_wait3A_483 = tpu.memref_slice %arg2[%add3A_360, %dma_wait3A_482] : memref<32768x128xi32, #tpu.memory_space<hbm>> -> memref<64x128xi32, #tpu.memory_space<hbm>>
    tpu.wait_dma2 semaphore(%arg10 : memref<!tpu.dma_semaphore, #tpu.memory_space<semaphore_mem>>) src(%dma_wait3A_483 : memref<64x128xi32, #tpu.memory_space<hbm>>) dst(%dma_wait3A_481 : memref<64x128xi32, #tpu.memory_space<vmem>>)
    %dma_wait3A_484 = arith.constant 64 : i32
    %dma_wait3A_485 = arith.constant 0 : i32
    %dma_wait3A_486 = tpu.memref_slice %arg7[%dma_wait3A_484, %dma_wait3A_485] : memref<256x128xi32, #tpu.memory_space<vmem>> -> memref<64x128xi32, #tpu.memory_space<vmem>>
    %dma_wait3A_487 = arith.constant 0 : i32
    %dma_wait3A_488 = tpu.memref_slice %arg2[%add3A_379, %dma_wait3A_487] : memref<32768x128xi32, #tpu.memory_space<hbm>> -> memref<64x128xi32, #tpu.memory_space<hbm>>
    %dma_wait3A_489 = arith.constant 64 : i32
    %dma_wait3A_490 = arith.constant 0 : i32
    %dma_wait3A_491 = tpu.memref_slice %arg7[%dma_wait3A_489, %dma_wait3A_490] : memref<256x128xi32, #tpu.memory_space<vmem>> -> memref<64x128xi32, #tpu.memory_space<vmem>>
    %dma_wait3A_492 = arith.constant 0 : i32
    %dma_wait3A_493 = tpu.memref_slice %arg2[%add3A_379, %dma_wait3A_492] : memref<32768x128xi32, #tpu.memory_space<hbm>> -> memref<64x128xi32, #tpu.memory_space<hbm>>
    tpu.wait_dma2 semaphore(%arg10 : memref<!tpu.dma_semaphore, #tpu.memory_space<semaphore_mem>>) src(%dma_wait3A_493 : memref<64x128xi32, #tpu.memory_space<hbm>>) dst(%dma_wait3A_491 : memref<64x128xi32, #tpu.memory_space<vmem>>)
    %dma_wait3A_494 = arith.constant 128 : i32
    %dma_wait3A_495 = arith.constant 0 : i32
    %dma_wait3A_496 = tpu.memref_slice %arg7[%dma_wait3A_494, %dma_wait3A_495] : memref<256x128xi32, #tpu.memory_space<vmem>> -> memref<64x128xi32, #tpu.memory_space<vmem>>
    %dma_wait3A_497 = arith.constant 0 : i32
    %dma_wait3A_498 = tpu.memref_slice %arg2[%add3A_398, %dma_wait3A_497] : memref<32768x128xi32, #tpu.memory_space<hbm>> -> memref<64x128xi32, #tpu.memory_space<hbm>>
    %dma_wait3A_499 = arith.constant 128 : i32
    %dma_wait3A_500 = arith.constant 0 : i32
    %dma_wait3A_501 = tpu.memref_slice %arg7[%dma_wait3A_499, %dma_wait3A_500] : memref<256x128xi32, #tpu.memory_space<vmem>> -> memref<64x128xi32, #tpu.memory_space<vmem>>
    %dma_wait3A_502 = arith.constant 0 : i32
    %dma_wait3A_503 = tpu.memref_slice %arg2[%add3A_398, %dma_wait3A_502] : memref<32768x128xi32, #tpu.memory_space<hbm>> -> memref<64x128xi32, #tpu.memory_space<hbm>>
    tpu.wait_dma2 semaphore(%arg10 : memref<!tpu.dma_semaphore, #tpu.memory_space<semaphore_mem>>) src(%dma_wait3A_503 : memref<64x128xi32, #tpu.memory_space<hbm>>) dst(%dma_wait3A_501 : memref<64x128xi32, #tpu.memory_space<vmem>>)
    %dma_wait3A_504 = arith.constant 192 : i32
    %dma_wait3A_505 = arith.constant 0 : i32
    %dma_wait3A_506 = tpu.memref_slice %arg7[%dma_wait3A_504, %dma_wait3A_505] : memref<256x128xi32, #tpu.memory_space<vmem>> -> memref<64x128xi32, #tpu.memory_space<vmem>>
    %dma_wait3A_507 = arith.constant 0 : i32
    %dma_wait3A_508 = tpu.memref_slice %arg2[%add3A_417, %dma_wait3A_507] : memref<32768x128xi32, #tpu.memory_space<hbm>> -> memref<64x128xi32, #tpu.memory_space<hbm>>
    %dma_wait3A_509 = arith.constant 192 : i32
    %dma_wait3A_510 = arith.constant 0 : i32
    %dma_wait3A_511 = tpu.memref_slice %arg7[%dma_wait3A_509, %dma_wait3A_510] : memref<256x128xi32, #tpu.memory_space<vmem>> -> memref<64x128xi32, #tpu.memory_space<vmem>>
    %dma_wait3A_512 = arith.constant 0 : i32
    %dma_wait3A_513 = tpu.memref_slice %arg2[%add3A_417, %dma_wait3A_512] : memref<32768x128xi32, #tpu.memory_space<hbm>> -> memref<64x128xi32, #tpu.memory_space<hbm>>
    tpu.wait_dma2 semaphore(%arg10 : memref<!tpu.dma_semaphore, #tpu.memory_space<semaphore_mem>>) src(%dma_wait3A_513 : memref<64x128xi32, #tpu.memory_space<hbm>>) dst(%dma_wait3A_511 : memref<64x128xi32, #tpu.memory_space<vmem>>)
    %scan3A_514 = arith.constant 0 : i32
    %scan3A_515 = arith.constant 0 : i32
    %scan3A_516 = arith.constant 64 : i32
    %scan3A_517 = arith.addi %scan3A_515, %scan3A_516 : i32
    %scan3A_518 = arith.constant 1 : i32
    scf.for %scan3A_522 = %scan3A_515 to %scan3A_517 step %scan3A_518  : i32 {
      %add3A_523 = arith.constant 192 : i32
      %add3A_524 = arith.addi %add3A_523, %scan3A_522 : i32
      %mul3A_525 = arith.constant 10 : i32
      %mul3A_526 = arith.muli %add3A_524, %mul3A_525 : i32
      %get3A = arith.index_cast %mul3A_526 : i32 to index
      %get3A_527 = tpu.vector_load %arg5[%get3A] {strides = array<i32>} : memref<2576xi32, #tpu.memory_space<vmem>>, vector<16xi32>,
      %and3A_528 = arith.constant 7 : i32
      %and3A_529 = vector.broadcast %and3A_528 : i32 to vector<16xi32>
      %and3A_530 = arith.andi %get3A_527, %and3A_529 : vector<16xi32>
      %shift_left3A = arith.constant 7 : i32
      %shift_left3A_531 = vector.broadcast %shift_left3A : i32 to vector<16xi32>
      %shift_left3A_532 = arith.shli %and3A_530, %shift_left3A_531 : vector<16xi32>
      %shift_right_logical3A = arith.constant 3 : i32
      %shift_right_logical3A_533 = vector.broadcast %shift_right_logical3A : i32 to vector<16xi32>
      %shift_right_logical3A_534 = arith.shrui %get3A_527, %shift_right_logical3A_533 : vector<16xi32>
      %or3A = arith.ori %shift_left3A_532, %shift_right_logical3A_534 : vector<16xi32>
      %broadcast_in_dim3A = arith.constant 0 : i32
      %broadcast_in_dim3A_535 = vector.broadcast %broadcast_in_dim3A : i32 to vector<16xi32>
      %add3A_536 = arith.addi %mul3A_32, %add3A_524 : i32
      %add3A_537 = vector.broadcast %add3A_536 : i32 to vector<16xi32>
      %add3A_538 = arith.addi %broadcast_in_dim3A_535, %add3A_537 : vector<16xi32>
      %ge3A = arith.constant 10 : i32
      %ge3A_539 = vector.broadcast %ge3A : i32 to vector<16xi32>
      %ge3A_540 = arith.cmpi sge, %iota3A, %ge3A_539 : vector<16xi32>
      %select_n3A_541 = arith.select %ge3A_540, %add3A_538, %or3A : vector<16xi1>, vector<16xi32>
      %shift_right_logical3A_542 = arith.constant 8 : i32
      %shift_right_logical3A_543 = vector.broadcast %shift_right_logical3A_542 : i32 to vector<16xi32>
      %shift_right_logical3A_544 = arith.shrui %select_n3A_541, %shift_right_logical3A_543 : vector<16xi32>
      %mul3A_545 = arith.constant 64 : i32
      %mul3A_546 = vector.broadcast %mul3A_545 : i32 to vector<16xi32>
      %mul3A_547 = arith.muli %shift_right_logical3A_544, %mul3A_546 : vector<16xi32>
      %add3A_548 = vector.broadcast %scan3A_522 : i32 to vector<16xi32>
      %add3A_549 = arith.addi %mul3A_547, %add3A_548 : vector<16xi32>
      %and3A_550 = arith.constant 127 : i32
      %and3A_551 = vector.broadcast %and3A_550 : i32 to vector<16xi32>
      %and3A_552 = arith.andi %select_n3A_541, %and3A_551 : vector<16xi32>
      %gather3A = tpu.vector_load_idx %arg7[%add3A_549, %and3A_552] : memref<256x128xi32, #tpu.memory_space<vmem>>[vector<16xi32>, vector<16xi32>], vector<16xi32>,
      %shift_right_logical3A_553 = arith.constant 7 : i32
      %shift_right_logical3A_554 = vector.broadcast %shift_right_logical3A_553 : i32 to vector<16xi32>
      %shift_right_logical3A_555 = arith.shrui %select_n3A_541, %shift_right_logical3A_554 : vector<16xi32>
      %and3A_556 = arith.constant 1 : i32
      %and3A_557 = vector.broadcast %and3A_556 : i32 to vector<16xi32>
      %and3A_558 = arith.andi %shift_right_logical3A_555, %and3A_557 : vector<16xi32>
      %mul3A_559 = arith.constant 16 : i32
      %mul3A_560 = vector.broadcast %mul3A_559 : i32 to vector<16xi32>
      %mul3A_561 = arith.muli %and3A_558, %mul3A_560 : vector<16xi32>
      %shift_right_logical3A_562 = arith.shrui %gather3A, %mul3A_561 : vector<16xi32>
      %and3A_563 = arith.constant 65535 : i32
      %and3A_564 = vector.broadcast %and3A_563 : i32 to vector<16xi32>
      %and3A_565 = arith.andi %shift_right_logical3A_562, %and3A_564 : vector<16xi32>
      %shift_left3A_566 = arith.constant 16 : i32
      %shift_left3A_567 = vector.broadcast %shift_left3A_566 : i32 to vector<16xi32>
      %shift_left3A_568 = arith.shli %and3A_565, %shift_left3A_567 : vector<16xi32>
      %bitcast3A = vector.bitcast %shift_left3A_568 : vector<16xi32> to vector<16xf32>
      %gt3A = arith.constant 10 : i32
      %gt3A_569 = vector.broadcast %gt3A : i32 to vector<16xi32>
      %gt3A_570 = arith.cmpi sgt, %iota3A, %gt3A_569 : vector<16xi32>
      %lt3A_571 = arith.constant 10 : i32
      %lt3A_572 = vector.broadcast %lt3A_571 : i32 to vector<16xi32>
      %lt3A_573 = arith.cmpi slt, %iota3A, %lt3A_572 : vector<16xi32>
      %eq3A_574 = arith.cmpi eq, %select_n3A_541, %add3A_538 : vector<16xi32>
      %and3A_575 = arith.andi %lt3A_573, %eq3A_574 : vector<16xi1>
      %or3A_576 = arith.ori %gt3A_570, %and3A_575 : vector<16xi1>
      %jit3A_577 = arith.constant 0xFF800000 : f32
      %broadcast_in_dim3A_578 = vector.broadcast %jit3A_577 : f32 to vector<16xf32>
      %select_n3A_579 = arith.select %or3A_576, %broadcast_in_dim3A_578, %bitcast3A : vector<16xi1>, vector<16xf32>
      %jit3A_580 = arith.constant 8 : i32
      %div3A_581 = arith.divsi %add3A_524, %jit3A_580 : i32
      %sign3A_582 = arith.constant 0 : i32
      %sign3A_583 = arith.cmpi sgt, %add3A_524, %sign3A_582 : i32
      %sign3A_584 = arith.extui %sign3A_583 : i1 to i32
      %sign3A_585 = arith.constant 0 : i32
      %sign3A_586 = arith.cmpi slt, %add3A_524, %sign3A_585 : i32
      %sign3A_587 = arith.extui %sign3A_586 : i1 to i32
      %sign3A_588 = arith.subi %sign3A_584, %sign3A_587 : i32
      %sign3A_589 = arith.constant 0 : i32
      %sign3A_590 = arith.cmpi sgt, %jit3A_580, %sign3A_589 : i32
      %sign3A_591 = arith.extui %sign3A_590 : i1 to i32
      %sign3A_592 = arith.constant 0 : i32
      %sign3A_593 = arith.cmpi slt, %jit3A_580, %sign3A_592 : i32
      %sign3A_594 = arith.extui %sign3A_593 : i1 to i32
      %sign3A_595 = arith.subi %sign3A_591, %sign3A_594 : i32
      %ne3A_596 = arith.cmpi ne, %sign3A_588, %sign3A_595 : i32
      %rem3A_597 = arith.remsi %add3A_524, %jit3A_580 : i32
      %ne3A_598 = arith.constant 0 : i32
      %ne3A_599 = arith.cmpi ne, %rem3A_597, %ne3A_598 : i32
      %and3A_600 = arith.andi %ne3A_596, %ne3A_599 : i1
      %sub3A_601 = arith.constant 1 : i32
      %sub3A_602 = arith.subi %div3A_581, %sub3A_601 : i32
      %select_n3A_603 = arith.select %and3A_600, %sub3A_602, %div3A_581 : i32
      %jit3A_604 = arith.constant 8 : i32
      %eq3A_605 = arith.constant 0 : i32
      %eq3A_606 = arith.cmpi eq, %jit3A_604, %eq3A_605 : i32
      %jit3A_607 = arith.constant 1 : i32
      %select_n3A_608 = arith.select %eq3A_606, %jit3A_607, %jit3A_604 : i32
      %rem3A_609 = arith.remsi %add3A_524, %select_n3A_608 : i32
      %ne3A_610 = arith.constant 0 : i32
      %ne3A_611 = arith.cmpi ne, %rem3A_609, %ne3A_610 : i32
      %lt3A_612 = arith.constant 0 : i32
      %lt3A_613 = arith.cmpi slt, %rem3A_609, %lt3A_612 : i32
      %lt3A_614 = arith.constant 0 : i32
      %lt3A_615 = arith.cmpi slt, %select_n3A_608, %lt3A_614 : i32
      %ne3A_616 = arith.xori %lt3A_613, %lt3A_615 : i1
      %and3A_617 = arith.andi %ne3A_616, %ne3A_611 : i1
      %add3A_618 = arith.addi %rem3A_609, %select_n3A_608 : i32
      %select_n3A_619 = arith.select %and3A_617, %add3A_618, %rem3A_609 : i32
      %mul3A_620 = arith.constant 16 : i32
      %mul3A_621 = arith.muli %select_n3A_619, %mul3A_620 : i32
      %swap3A = arith.index_cast %select_n3A_603 : i32 to index
      %swap3A_622 = arith.index_cast %mul3A_621 : i32 to index
      %swap3A_623 = tpu.vector_load %arg8[%swap3A, %swap3A_622] {strides = array<i32>} : memref<32x128xf32, #tpu.memory_space<vmem>>, vector<16xf32>,
      tpu.vector_store %arg8[%swap3A, %swap3A_622], %select_n3A_579 {strides = array<i32>} : memref<32x128xf32, #tpu.memory_space<vmem>>, vector<16xf32>,
    }
    %scan3A_519 = arith.constant 64 : i32
    %mul3A_520 = arith.constant 32 : i32
    %mul3A_521 = arith.muli %add3A, %mul3A_520 : i32
    "tpu.region"() ({
      %run_scoped3A = tpu.sem_alloc : memref<!tpu.dma_semaphore, #tpu.memory_space<semaphore_mem>>
      %dma_start3A_522 = arith.constant 0 : i32
      %dma_start3A_523 = tpu.memref_slice %arg4[%mul3A_521, %dma_start3A_522] : memref<1024x128xf32, #tpu.memory_space<hbm>> -> memref<32x128xf32, #tpu.memory_space<hbm>>
      %dma_start3A_524 = arith.constant 0 : i32
      %dma_start3A_525 = tpu.memref_slice %arg4[%mul3A_521, %dma_start3A_524] : memref<1024x128xf32, #tpu.memory_space<hbm>> -> memref<32x128xf32, #tpu.memory_space<hbm>>
      tpu.enqueue_dma source(%arg8 : memref<32x128xf32, #tpu.memory_space<vmem>>) target(%dma_start3A_525 : memref<32x128xf32, #tpu.memory_space<hbm>>) target_semaphore(%run_scoped3A : memref<!tpu.dma_semaphore, #tpu.memory_space<semaphore_mem>>)
      %dma_wait3A_526 = arith.constant 0 : i32
      %dma_wait3A_527 = tpu.memref_slice %arg4[%mul3A_521, %dma_wait3A_526] : memref<1024x128xf32, #tpu.memory_space<hbm>> -> memref<32x128xf32, #tpu.memory_space<hbm>>
      %dma_wait3A_528 = arith.constant 0 : i32
      %dma_wait3A_529 = tpu.memref_slice %arg4[%mul3A_521, %dma_wait3A_528] : memref<1024x128xf32, #tpu.memory_space<hbm>> -> memref<32x128xf32, #tpu.memory_space<hbm>>
      tpu.wait_dma2 semaphore(%run_scoped3A : memref<!tpu.dma_semaphore, #tpu.memory_space<semaphore_mem>>) src(%arg8 : memref<32x128xf32, #tpu.memory_space<vmem>>) dst(%dma_wait3A_529 : memref<32x128xf32, #tpu.memory_space<hbm>>)
      tpu.yield
    }) : () -> ()
    return
  }
}

module attributes {stable_mosaic.version = 14 : i64} {
  func.func @_gram_body(%arg0: i32, %arg1: memref<1x512x1024xf32, #tpu.memory_space<vmem>>, %arg2: memref<1x512x1024xf32, #tpu.memory_space<vmem>>, %arg3: memref<4096x128xi32, #tpu.memory_space<vmem>>) attributes {dimension_semantics = [#tpu.dimension_semantics<arbitrary>], iteration_bounds = array<i64: 8>, scalar_prefetch = 0 : i64, scratch_operands = 0 : i64, tpu.core_type = #tpu.core_type<tc>, window_params = [{transform_indices = @transform_0, window_bounds = array<i64: 1, 512, 1024>}, {transform_indices = @transform_1, window_bounds = array<i64: 1, 512, 1024>}, {transform_indices = @transform_2, window_bounds = array<i64: 4096, 128>}]} {
    %get3A = arith.constant 0 : index
    %get3A_0 = arith.constant 0 : index
    %get3A_1 = arith.constant 0 : index
    %get3A_2 = vector.load %arg1[%get3A, %get3A_0, %get3A_1] : memref<1x512x1024xf32, #tpu.memory_space<vmem>>, vector<1x512x1024xf32>
    %get3A_3 = vector.shape_cast %get3A_2 : vector<1x512x1024xf32> to vector<512x1024xf32>
    %get3A_4 = arith.constant 0 : index
    %get3A_5 = arith.constant 0 : index
    %get3A_6 = arith.constant 0 : index
    %get3A_7 = vector.load %arg2[%get3A_4, %get3A_5, %get3A_6] : memref<1x512x1024xf32, #tpu.memory_space<vmem>>, vector<1x512x1024xf32>
    %get3A_8 = vector.shape_cast %get3A_7 : vector<1x512x1024xf32> to vector<512x1024xf32>
    %mul3A = arith.mulf %get3A_3, %get3A_3 : vector<512x1024xf32>
    %reduce_sum3A = arith.constant dense<0.000000e+00> : vector<1024xf32>
    %reduce_sum3A_9 = vector.multi_reduction <add>, %mul3A, %reduce_sum3A [0] : vector<512x1024xf32> to vector<1024xf32>
    %broadcast_in_dim3A = vector.shape_cast %reduce_sum3A_9 : vector<1024xf32> to vector<1x1024xf32>
    %sqrt3A = math.sqrt %broadcast_in_dim3A : vector<1x1024xf32>
    %max3A = arith.constant 9.99999993E-9 : f32
    %max3A_10 = vector.broadcast %max3A : f32 to vector<1x1024xf32>
    %max3A_11 = arith.maximumf %sqrt3A, %max3A_10 : vector<1x1024xf32>
    %div3A = arith.constant 1.000000e+01 : f32
    %div3A_12 = vector.broadcast %div3A : f32 to vector<1x1024xf32>
    %div3A_13 = arith.divf %div3A_12, %max3A_11 : vector<1x1024xf32>
    %mul3A_14 = vector.broadcast %div3A_13 : vector<1x1024xf32> to vector<512x1024xf32>
    %mul3A_15 = arith.mulf %get3A_3, %mul3A_14 : vector<512x1024xf32>
    %convert_element_type3A = arith.truncf %mul3A_15 : vector<512x1024xf32> to vector<512x1024xbf16>
    %transpose3A = tpu.transpose %convert_element_type3A, [1, 0] : vector<512x1024xbf16> -> vector<1024x512xbf16>
    %mul3A_16 = arith.mulf %get3A_8, %get3A_8 : vector<512x1024xf32>
    %reduce_sum3A_17 = arith.constant dense<0.000000e+00> : vector<1024xf32>
    %reduce_sum3A_18 = vector.multi_reduction <add>, %mul3A_16, %reduce_sum3A_17 [0] : vector<512x1024xf32> to vector<1024xf32>
    %broadcast_in_dim3A_19 = vector.shape_cast %reduce_sum3A_18 : vector<1024xf32> to vector<1x1024xf32>
    %sqrt3A_20 = math.sqrt %broadcast_in_dim3A_19 : vector<1x1024xf32>
    %max3A_21 = arith.constant 9.99999993E-9 : f32
    %max3A_22 = vector.broadcast %max3A_21 : f32 to vector<1x1024xf32>
    %max3A_23 = arith.maximumf %sqrt3A_20, %max3A_22 : vector<1x1024xf32>
    %div3A_24 = arith.constant 1.000000e+00 : f32
    %div3A_25 = vector.broadcast %div3A_24 : f32 to vector<1x1024xf32>
    %div3A_26 = arith.divf %div3A_25, %max3A_23 : vector<1x1024xf32>
    %mul3A_27 = vector.broadcast %div3A_26 : vector<1x1024xf32> to vector<512x1024xf32>
    %mul3A_28 = arith.mulf %get3A_8, %mul3A_27 : vector<512x1024xf32>
    %convert_element_type3A_29 = arith.truncf %mul3A_28 : vector<512x1024xf32> to vector<512x1024xbf16>
    %dot_general3A = arith.constant dense<0.000000e+00> : vector<1024x1024xf32>
    %dot_general3A_30 = tpu.matmul %transpose3A, %convert_element_type3A_29, %dot_general3A {dimension_numbers = #tpu.dot_dimension_numbers<[1], [0], [0], [1], [0, 0, 1, 1], [], []>, transpose_lhs_hint = false} : vector<1024x512xbf16>, vector<512x1024xbf16>, vector<1024x1024xf32> -> vector<1024x1024xf32>
    %slice3A = vector.extract_strided_slice %dot_general3A_30 {offsets = [0, 0], sizes = [1024, 128], strides = [1, 1]} : vector<1024x1024xf32> to vector<1024x128xf32>
    %convert_element_type3A_31 = arith.truncf %slice3A : vector<1024x128xf32> to vector<1024x128xbf16>
    %bitcast_convert_type3A = tpu.bitcast %convert_element_type3A_31 : vector<1024x128xbf16> -> vector<1024x128xi16>
    %convert_element_type3A_32 = arith.extui %bitcast_convert_type3A : vector<1024x128xi16> to vector<1024x128xi32>
    %slice3A_33 = vector.extract_strided_slice %dot_general3A_30 {offsets = [0, 128], sizes = [1024, 128], strides = [1, 1]} : vector<1024x1024xf32> to vector<1024x128xf32>
    %convert_element_type3A_34 = arith.truncf %slice3A_33 : vector<1024x128xf32> to vector<1024x128xbf16>
    %bitcast_convert_type3A_35 = tpu.bitcast %convert_element_type3A_34 : vector<1024x128xbf16> -> vector<1024x128xi16>
    %convert_element_type3A_36 = arith.extui %bitcast_convert_type3A_35 : vector<1024x128xi16> to vector<1024x128xi32>
    %shift_left3A = arith.constant 16 : i32
    %shift_left3A_37 = vector.broadcast %shift_left3A : i32 to vector<1024x128xi32>
    %shift_left3A_38 = arith.shli %convert_element_type3A_36, %shift_left3A_37 : vector<1024x128xi32>
    %or3A = arith.ori %convert_element_type3A_32, %shift_left3A_38 : vector<1024x128xi32>
    %swap3A = arith.constant 0 : index
    %swap3A_39 = arith.constant 0 : index
    %swap3A_40 = vector.load %arg3[%swap3A, %swap3A_39] : memref<4096x128xi32, #tpu.memory_space<vmem>>, vector<1024x128xi32>
    tpu.vector_store %arg3[%swap3A, %swap3A_39], %or3A {strides = array<i32>} : memref<4096x128xi32, #tpu.memory_space<vmem>>, vector<1024x128xi32>,
    %slice3A_41 = vector.extract_strided_slice %dot_general3A_30 {offsets = [0, 256], sizes = [1024, 128], strides = [1, 1]} : vector<1024x1024xf32> to vector<1024x128xf32>
    %convert_element_type3A_42 = arith.truncf %slice3A_41 : vector<1024x128xf32> to vector<1024x128xbf16>
    %bitcast_convert_type3A_43 = tpu.bitcast %convert_element_type3A_42 : vector<1024x128xbf16> -> vector<1024x128xi16>
    %convert_element_type3A_44 = arith.extui %bitcast_convert_type3A_43 : vector<1024x128xi16> to vector<1024x128xi32>
    %slice3A_45 = vector.extract_strided_slice %dot_general3A_30 {offsets = [0, 384], sizes = [1024, 128], strides = [1, 1]} : vector<1024x1024xf32> to vector<1024x128xf32>
    %convert_element_type3A_46 = arith.truncf %slice3A_45 : vector<1024x128xf32> to vector<1024x128xbf16>
    %bitcast_convert_type3A_47 = tpu.bitcast %convert_element_type3A_46 : vector<1024x128xbf16> -> vector<1024x128xi16>
    %convert_element_type3A_48 = arith.extui %bitcast_convert_type3A_47 : vector<1024x128xi16> to vector<1024x128xi32>
    %shift_left3A_49 = arith.constant 16 : i32
    %shift_left3A_50 = vector.broadcast %shift_left3A_49 : i32 to vector<1024x128xi32>
    %shift_left3A_51 = arith.shli %convert_element_type3A_48, %shift_left3A_50 : vector<1024x128xi32>
    %or3A_52 = arith.ori %convert_element_type3A_44, %shift_left3A_51 : vector<1024x128xi32>
    %swap3A_53 = arith.constant 1024 : index
    %swap3A_54 = arith.constant 0 : index
    %swap3A_55 = vector.load %arg3[%swap3A_53, %swap3A_54] : memref<4096x128xi32, #tpu.memory_space<vmem>>, vector<1024x128xi32>
    tpu.vector_store %arg3[%swap3A_53, %swap3A_54], %or3A_52 {strides = array<i32>} : memref<4096x128xi32, #tpu.memory_space<vmem>>, vector<1024x128xi32>,
    %slice3A_56 = vector.extract_strided_slice %dot_general3A_30 {offsets = [0, 512], sizes = [1024, 128], strides = [1, 1]} : vector<1024x1024xf32> to vector<1024x128xf32>
    %convert_element_type3A_57 = arith.truncf %slice3A_56 : vector<1024x128xf32> to vector<1024x128xbf16>
    %bitcast_convert_type3A_58 = tpu.bitcast %convert_element_type3A_57 : vector<1024x128xbf16> -> vector<1024x128xi16>
    %convert_element_type3A_59 = arith.extui %bitcast_convert_type3A_58 : vector<1024x128xi16> to vector<1024x128xi32>
    %slice3A_60 = vector.extract_strided_slice %dot_general3A_30 {offsets = [0, 640], sizes = [1024, 128], strides = [1, 1]} : vector<1024x1024xf32> to vector<1024x128xf32>
    %convert_element_type3A_61 = arith.truncf %slice3A_60 : vector<1024x128xf32> to vector<1024x128xbf16>
    %bitcast_convert_type3A_62 = tpu.bitcast %convert_element_type3A_61 : vector<1024x128xbf16> -> vector<1024x128xi16>
    %convert_element_type3A_63 = arith.extui %bitcast_convert_type3A_62 : vector<1024x128xi16> to vector<1024x128xi32>
    %shift_left3A_64 = arith.constant 16 : i32
    %shift_left3A_65 = vector.broadcast %shift_left3A_64 : i32 to vector<1024x128xi32>
    %shift_left3A_66 = arith.shli %convert_element_type3A_63, %shift_left3A_65 : vector<1024x128xi32>
    %or3A_67 = arith.ori %convert_element_type3A_59, %shift_left3A_66 : vector<1024x128xi32>
    %swap3A_68 = arith.constant 2048 : index
    %swap3A_69 = arith.constant 0 : index
    %swap3A_70 = vector.load %arg3[%swap3A_68, %swap3A_69] : memref<4096x128xi32, #tpu.memory_space<vmem>>, vector<1024x128xi32>
    tpu.vector_store %arg3[%swap3A_68, %swap3A_69], %or3A_67 {strides = array<i32>} : memref<4096x128xi32, #tpu.memory_space<vmem>>, vector<1024x128xi32>,
    %slice3A_71 = vector.extract_strided_slice %dot_general3A_30 {offsets = [0, 768], sizes = [1024, 128], strides = [1, 1]} : vector<1024x1024xf32> to vector<1024x128xf32>
    %convert_element_type3A_72 = arith.truncf %slice3A_71 : vector<1024x128xf32> to vector<1024x128xbf16>
    %bitcast_convert_type3A_73 = tpu.bitcast %convert_element_type3A_72 : vector<1024x128xbf16> -> vector<1024x128xi16>
    %convert_element_type3A_74 = arith.extui %bitcast_convert_type3A_73 : vector<1024x128xi16> to vector<1024x128xi32>
    %slice3A_75 = vector.extract_strided_slice %dot_general3A_30 {offsets = [0, 896], sizes = [1024, 128], strides = [1, 1]} : vector<1024x1024xf32> to vector<1024x128xf32>
    %convert_element_type3A_76 = arith.truncf %slice3A_75 : vector<1024x128xf32> to vector<1024x128xbf16>
    %bitcast_convert_type3A_77 = tpu.bitcast %convert_element_type3A_76 : vector<1024x128xbf16> -> vector<1024x128xi16>
    %convert_element_type3A_78 = arith.extui %bitcast_convert_type3A_77 : vector<1024x128xi16> to vector<1024x128xi32>
    %shift_left3A_79 = arith.constant 16 : i32
    %shift_left3A_80 = vector.broadcast %shift_left3A_79 : i32 to vector<1024x128xi32>
    %shift_left3A_81 = arith.shli %convert_element_type3A_78, %shift_left3A_80 : vector<1024x128xi32>
    %or3A_82 = arith.ori %convert_element_type3A_74, %shift_left3A_81 : vector<1024x128xi32>
    %swap3A_83 = arith.constant 3072 : index
    %swap3A_84 = arith.constant 0 : index
    %swap3A_85 = vector.load %arg3[%swap3A_83, %swap3A_84] : memref<4096x128xi32, #tpu.memory_space<vmem>>, vector<1024x128xi32>
    tpu.vector_store %arg3[%swap3A_83, %swap3A_84], %or3A_82 {strides = array<i32>} : memref<4096x128xi32, #tpu.memory_space<vmem>>, vector<1024x128xi32>,
    return
  }
  func.func @transform_0(%arg0: i32) -> (i32, i32, i32) {
    %c0_i32 = arith.constant 0 : i32
    %c0_i32_0 = arith.constant 0 : i32
    %c0_i32_1 = arith.constant 0 : i32
    return %arg0, %c0_i32, %c0_i32_0 : i32, i32, i32
  }
  func.func @transform_1(%arg0: i32) -> (i32, i32, i32) {
    %c0_i32 = arith.constant 0 : i32
    %c0_i32_0 = arith.constant 0 : i32
    %c0_i32_1 = arith.constant 0 : i32
    return %arg0, %c0_i32, %c0_i32_0 : i32, i32, i32
  }
  func.func @transform_2(%arg0: i32) -> (i32, i32) {
    %c0_i32 = arith.constant 0 : i32
    %c0_i32_0 = arith.constant 0 : i32
    return %arg0, %c0_i32 : i32, i32
  }
}

module attributes {stable_mosaic.version = 14 : i64} {
  func.func @_finish_body(%arg0: memref<1024x128xf32, #tpu.memory_space<vmem>>, %arg1: memref<1x1xf32, #tpu.memory_space<vmem>>) attributes {dimension_semantics = [], scalar_prefetch = 0 : i64, scratch_operands = 0 : i64, tpu.core_type = #tpu.core_type<tc>} {
    %get3A = arith.constant 0 : index
    %get3A_0 = arith.constant 0 : index
    %get3A_1 = vector.load %arg0[%get3A, %get3A_0] : memref<1024x128xf32, #tpu.memory_space<vmem>>, vector<1024x128xf32>
    %iota3A = tpu.iota {dimensions = array<i32: 1>} : vector<1024x128xi32>
    %jit3A = arith.constant 16 : i32
    %eq3A = arith.constant 0 : i32
    %eq3A_2 = arith.cmpi eq, %jit3A, %eq3A : i32
    %jit3A_3 = arith.constant 1 : i32
    %select_n3A = arith.select %eq3A_2, %jit3A_3, %jit3A : i32
    %rem3A = vector.broadcast %select_n3A : i32 to vector<1024x128xi32>
    %rem3A_4 = arith.remsi %iota3A, %rem3A : vector<1024x128xi32>
    %ne3A = arith.constant 0 : i32
    %ne3A_5 = vector.broadcast %ne3A : i32 to vector<1024x128xi32>
    %ne3A_6 = arith.cmpi ne, %rem3A_4, %ne3A_5 : vector<1024x128xi32>
    %lt3A = arith.constant 0 : i32
    %lt3A_7 = vector.broadcast %lt3A : i32 to vector<1024x128xi32>
    %lt3A_8 = arith.cmpi slt, %rem3A_4, %lt3A_7 : vector<1024x128xi32>
    %lt3A_9 = arith.constant 0 : i32
    %lt3A_10 = arith.cmpi slt, %select_n3A, %lt3A_9 : i32
    %ne3A_11 = vector.broadcast %lt3A_10 : i1 to vector<1024x128xi1>
    %ne3A_12 = vector.broadcast %ne3A_11 : vector<1024x128xi1> to vector<1024x128xi1>
    %ne3A_13 = arith.xori %lt3A_8, %ne3A_12 : vector<1024x128xi1>
    %and3A = arith.andi %ne3A_13, %ne3A_6 : vector<1024x128xi1>
    %add3A = vector.broadcast %select_n3A : i32 to vector<1024x128xi32>
    %add3A_14 = arith.addi %rem3A_4, %add3A : vector<1024x128xi32>
    %select_n3A_15 = arith.select %and3A, %add3A_14, %rem3A_4 : vector<1024x128xi1>, vector<1024x128xi32>
    %exp3A = math.exp %get3A_1 : vector<1024x128xf32>
    %iota3A_16 = tpu.iota {dimensions = array<i32: 0>} : vector<128x8xi32>
    %iota3A_17 = tpu.iota {dimensions = array<i32: 1>} : vector<128x8xi32>
    %jit3A_18 = arith.constant 16 : i32
    %div3A = vector.broadcast %jit3A_18 : i32 to vector<128x8xi32>
    %div3A_19 = arith.divsi %iota3A_16, %div3A : vector<128x8xi32>
    %sign3A = arith.constant 0 : i32
    %sign3A_20 = vector.broadcast %sign3A : i32 to vector<128x8xi32>
    %sign3A_21 = arith.cmpi sgt, %iota3A_16, %sign3A_20 : vector<128x8xi32>
    %sign3A_22 = arith.extui %sign3A_21 : vector<128x8xi1> to vector<128x8xi32>
    %sign3A_23 = arith.constant 0 : i32
    %sign3A_24 = vector.broadcast %sign3A_23 : i32 to vector<128x8xi32>
    %sign3A_25 = arith.cmpi slt, %iota3A_16, %sign3A_24 : vector<128x8xi32>
    %sign3A_26 = arith.extui %sign3A_25 : vector<128x8xi1> to vector<128x8xi32>
    %sign3A_27 = arith.subi %sign3A_22, %sign3A_26 : vector<128x8xi32>
    %sign3A_28 = arith.constant 0 : i32
    %sign3A_29 = arith.cmpi sgt, %jit3A_18, %sign3A_28 : i32
    %sign3A_30 = arith.extui %sign3A_29 : i1 to i32
    %sign3A_31 = arith.constant 0 : i32
    %sign3A_32 = arith.cmpi slt, %jit3A_18, %sign3A_31 : i32
    %sign3A_33 = arith.extui %sign3A_32 : i1 to i32
    %sign3A_34 = arith.subi %sign3A_30, %sign3A_33 : i32
    %ne3A_35 = vector.broadcast %sign3A_34 : i32 to vector<128x8xi32>
    %ne3A_36 = arith.cmpi ne, %sign3A_27, %ne3A_35 : vector<128x8xi32>
    %rem3A_37 = vector.broadcast %jit3A_18 : i32 to vector<128x8xi32>
    %rem3A_38 = arith.remsi %iota3A_16, %rem3A_37 : vector<128x8xi32>
    %ne3A_39 = arith.constant 0 : i32
    %ne3A_40 = vector.broadcast %ne3A_39 : i32 to vector<128x8xi32>
    %ne3A_41 = arith.cmpi ne, %rem3A_38, %ne3A_40 : vector<128x8xi32>
    %and3A_42 = arith.andi %ne3A_36, %ne3A_41 : vector<128x8xi1>
    %sub3A = arith.constant 1 : i32
    %sub3A_43 = vector.broadcast %sub3A : i32 to vector<128x8xi32>
    %sub3A_44 = arith.subi %div3A_19, %sub3A_43 : vector<128x8xi32>
    %select_n3A_45 = arith.select %and3A_42, %sub3A_44, %div3A_19 : vector<128x8xi1>, vector<128x8xi32>
    %eq3A_46 = arith.cmpi eq, %select_n3A_45, %iota3A_17 : vector<128x8xi32>
    %convert_element_type3A = arith.extui %eq3A_46 : vector<128x8xi1> to vector<128x8xi32>
    %convert_element_type3A_47 = arith.sitofp %convert_element_type3A : vector<128x8xi32> to vector<128x8xf32>
    %lt3A_48 = arith.constant 10 : i32
    %lt3A_49 = vector.broadcast %lt3A_48 : i32 to vector<1024x128xi32>
    %lt3A_50 = arith.cmpi slt, %select_n3A_15, %lt3A_49 : vector<1024x128xi32>
    %jit3A_51 = arith.constant 0.000000e+00 : f32
    %broadcast_in_dim3A = vector.broadcast %jit3A_51 : f32 to vector<1024x128xf32>
    %select_n3A_52 = arith.select %lt3A_50, %exp3A, %broadcast_in_dim3A : vector<1024x128xi1>, vector<1024x128xf32>
    %dot_general3A = arith.constant dense<0.000000e+00> : vector<1024x8xf32>
    %dot_general3A_53 = tpu.matmul %select_n3A_52, %convert_element_type3A_47, %dot_general3A {dimension_numbers = #tpu.dot_dimension_numbers<[1], [0], [0], [1], [0, 0, 1, 1], [], []>, transpose_lhs_hint = false} : vector<1024x128xf32>, vector<128x8xf32>, vector<1024x8xf32> -> vector<1024x8xf32>
    %eq3A_54 = arith.constant 10 : i32
    %eq3A_55 = vector.broadcast %eq3A_54 : i32 to vector<1024x128xi32>
    %eq3A_56 = arith.cmpi eq, %select_n3A_15, %eq3A_55 : vector<1024x128xi32>
    %jit3A_57 = arith.constant 0.000000e+00 : f32
    %broadcast_in_dim3A_58 = vector.broadcast %jit3A_57 : f32 to vector<1024x128xf32>
    %select_n3A_59 = arith.select %eq3A_56, %exp3A, %broadcast_in_dim3A_58 : vector<1024x128xi1>, vector<1024x128xf32>
    %dot_general3A_60 = arith.constant dense<0.000000e+00> : vector<1024x8xf32>
    %dot_general3A_61 = tpu.matmul %select_n3A_59, %convert_element_type3A_47, %dot_general3A_60 {dimension_numbers = #tpu.dot_dimension_numbers<[1], [0], [0], [1], [0, 0, 1, 1], [], []>, transpose_lhs_hint = false} : vector<1024x128xf32>, vector<128x8xf32>, vector<1024x8xf32> -> vector<1024x8xf32>
    %eq3A_62 = arith.constant 10 : i32
    %eq3A_63 = vector.broadcast %eq3A_62 : i32 to vector<1024x128xi32>
    %eq3A_64 = arith.cmpi eq, %select_n3A_15, %eq3A_63 : vector<1024x128xi32>
    %jit3A_65 = arith.constant 0.000000e+00 : f32
    %broadcast_in_dim3A_66 = vector.broadcast %jit3A_65 : f32 to vector<1024x128xf32>
    %select_n3A_67 = arith.select %eq3A_64, %get3A_1, %broadcast_in_dim3A_66 : vector<1024x128xi1>, vector<1024x128xf32>
    %dot_general3A_68 = arith.constant dense<0.000000e+00> : vector<1024x8xf32>
    %dot_general3A_69 = tpu.matmul %select_n3A_67, %convert_element_type3A_47, %dot_general3A_68 {dimension_numbers = #tpu.dot_dimension_numbers<[1], [0], [0], [1], [0, 0, 1, 1], [], []>, transpose_lhs_hint = false} : vector<1024x128xf32>, vector<128x8xf32>, vector<1024x8xf32> -> vector<1024x8xf32>
    %add3A_70 = arith.addf %dot_general3A_61, %dot_general3A_53 : vector<1024x8xf32>
    %log3A = math.log %add3A_70 : vector<1024x8xf32>
    %sub3A_71 = arith.subf %log3A, %dot_general3A_69 : vector<1024x8xf32>
    %reduce_sum3A = vector.shape_cast %sub3A_71 : vector<1024x8xf32> to vector<1x1024x8xf32>
    %reduce_sum3A_72 = arith.constant dense<0.000000e+00> : vector<1xf32>
    %reduce_sum3A_73 = vector.multi_reduction <add>, %reduce_sum3A, %reduce_sum3A_72 [1, 2] : vector<1x1024x8xf32> to vector<1xf32>
    %reduce_sum3A_74 = vector.shape_cast %reduce_sum3A_73 : vector<1xf32> to vector<1x1x1xf32>
    %reduce_sum3A_75 = vector.extract %reduce_sum3A_74[0, 0, 0] : f32 from vector<1x1x1xf32>
    %broadcast_in_dim3A_76 = vector.broadcast %reduce_sum3A_75 : f32 to vector<1x1xf32>
    %mul3A = arith.constant 1.22070313E-4 : f32
    %mul3A_77 = vector.broadcast %mul3A : f32 to vector<1x1xf32>
    %mul3A_78 = arith.mulf %broadcast_in_dim3A_76, %mul3A_77 : vector<1x1xf32>
    %swap3A = arith.constant 0 : index
    %swap3A_79 = arith.constant 0 : index
    %swap3A_80 = vector.load %arg1[%swap3A, %swap3A_79] : memref<1x1xf32, #tpu.memory_space<vmem>>, vector<1x1xf32>
    tpu.vector_store %arg1[%swap3A, %swap3A_79], %mul3A_78 {strides = array<i32>} : memref<1x1xf32, #tpu.memory_space<vmem>>, vector<1x1xf32>,
    return
  }
}

</mosaic_0001>

<sc_bundles>
// kernel: kernel.5.cloned.1.call-start
scs
__scs_entry_jumppad:
0x0: {  	(pc) =	sbr.rel $0x88, $3  }
0x1: {  	(tag) =	ssettag $0x0;
	lr =	simm.s32 $0x1  }
0x2: {  	[smem:$0x3F9F] =	sst lr;
	_ =	strace $0xD0000000  }
0x3: {  	_ = 	snop  }
0x4: {  	_ = 	snop  }
0x5: {  	_ = 	snop  }
0x6: {  	_ = 	snop  }
0x7: {  	_ = 	snop  }
__scs_overlays_trampoline_lowered:
0x8: {  	[smem:$0x3FAE] =	sst s0  }
0x9: {  	[smem:$0x3FAF] =	sst s1  }
0xa: {  	[smem:$0x3FB0] =	sst s2  }
0xb: {  	[smem:$0x3FB1] =	sst s3  }
0xc: {  	[smem:$0x3FB2] =	sst s4  }
0xd: {  	[smem:$0x3FB3] =	sst s5  }
0xe: {  	[smem:$0x3FB4] =	sst s6  }
0xf: {  	[smem:$0x3FB5] =	sst s7  }
0x10: {  	[smem:$0x3FB6] =	sst s8  }
0x11: {  	[smem:$0x3FB7] =	sst s9;
	s0 =	simm.s32 @!p0 $0x0  }
0x12: {  	s1 =	sld [smem:$0x3F9D];
	s0 =	simm.s32 @p0 $0x1  }
0x13: {  	[smem:$0x3FB8] =	sst s0;
	s0 =	simm.s32 @!p1 $0x0  }
0x14: {  	s2 =	sld [smem:$0x3F9C];
	s0 =	simm.s32 @p1 $0x1  }
0x15: {  	[smem:$0x3FB9] =	sst s0;
	s0 =	simm.s32 @!p2 $0x0  }
0x16: {  	s3 =	sld [smem:$0x3FDB];
	s0 =	simm.s32 @p2 $0x1  }
0x17: {  	s4 =	simm.s32 $0x1BF5;
	[smem:$0x3FBB] =	sst s0  }
0x18: {  	s0 =	sld [smem:$0x3F9E];
	_ =	swait.ge [sflag:s4], $0x0  }
0x19: {  	s7 =	sld [smem:$0x3F9F]  }
0x1a: {  	s8 =	sadd.s32 $0xFFFFE003, lr  }
0x1b: {  	s9 =	sadd.s32 $0xFFFFFEF7, lr;
	s5 =	simm.s32 $0xFFFFFFFF;
	p2 =	slt.u32 s8, $0xFFFFF086  }
0x1c: {  	p1 =	slt.u32 s9, $0xF7A;
	s5 =	simm.s32 @!p2 $0x0  }
0x1d: {  	s5 =	simm.s32 @p1 $0x1;
	p0 =	seq.s32 s7, s2  }
0x1e: {  	s7 =	smul.u32 @!p0 $0xF7A, s2;
	p2 =	seq.s32 @!p0 s5, $0x0  }
0x1f: {  	s9 =	smul.u32 $0xF7A, s1;
	s8 =	simm.s32 @!p0 $0x1BF5;
	p2 =	por !p2, p0  }
0x20: {  	[sflag:s8] =	ssyncset.s32 @!p0 $0xFFFFF086;
	s6 =	sadd.s32 @!p0 s3, s7;
	s7 =	simm.s32 @!p0 $0x108  }
0x21: {  	s3 =	sadd.s32 s3, s9;
	s6 =	sadd.s32 @!p0 $0x88, s6;
	s7 =	simm.s32 @p2 $0x1082  }
0x22: {  	[simem:s7], [sflag:s8] =	dma.local @!p0 [hbm:s6], $0xF7A  }
0x23: {  	s9 =	sor.u32 $0xD0000000, s2;
	s6 =	simm.s32 $0x108;
	_ =	swait.ge @!p0 [sflag:s8], $0x0  }
0x24: {  	s3 =	sadd.s32 $0x88, s3;
	s6 =	simm.s32 @!p1 $0x1082;
	[sflag:s4] =	ssyncset.s32 $0xFFFFF086  }
0x25: {  	[simem:s6], [sflag:s4] =	dma.local [hbm:s3], $0xF7A  }
0x26: {  	[smem:$0x3F9F] =	sst s1;
	(tag) =	ssettag s2;
	_ =	strace s9  }
0x27: {  	s1 =	sld [smem:$0x3FAF]  }
0x28: {  	s2 =	sld [smem:$0x3FB0]  }
0x29: {  	s4 =	sld [smem:$0x3FB2]  }
0x2a: {  	p0 =	seq.s32 s5, $0x0;
	s5 =	sld [smem:$0x3FB3]  }
0x2b: {  	s6 =	sld [smem:$0x3FB4]  }
0x2c: {  	s7 =	sld [smem:$0x3FB5]  }
0x2d: {  	s3 =	simm.s32 $0x108;
	s8 =	sld [smem:$0x3FB6]  }
0x2e: {  	s3 =	simm.s32 @!p0 $0x1082;
	s9 =	sld [smem:$0x3FB7]  }
0x2f: {  	lr =	sadd.s32 s0, s3;
	s0 =	sld [smem:$0x3FAE]  }
0x30: {  	s3 =	sld [smem:$0x3FB1]  }
0x31: {  	[smem:$0x3FBA] =	sst s10  }
0x32: {  	s10 =	sld [smem:$0x3FB8];
	_ =	sdelay $0x3  }
0x33: {  	p0 =	seq.s32 s10, $0x1;
	s10 =	sld [smem:$0x3FBA];
	_ =	sdelay $0x3  }
0x34: {  	[smem:$0x3FBA] =	sst s10  }
0x35: {  	s10 =	sld [smem:$0x3FB9];
	_ =	sdelay $0x3  }
0x36: {  	p1 =	seq.s32 s10, $0x1;
	s10 =	sld [smem:$0x3FBA];
	_ =	sdelay $0x3  }
0x37: {  	[smem:$0x3FBA] =	sst s10  }
0x38: {  	s10 =	sld [smem:$0x3FBB]  }
0x39: {  	_ = 	snop;
	(pc) =	sbr.ind lr, $3  }
0x3a: {  	_ = 	snop  }
0x3b: {  	_ = 	snop  }
0x3c: {  	p2 =	seq.s32 s10, $0x1;
	s10 =	sld [smem:$0x3FBA]  }
0x3d: {  	_ =	shalt  }
0x3e: {  	_ =	shalt  }
0x3f: {  	_ =	shalt  }
0x40: {  	_ =	shalt  }
0x41: {  	_ =	shalt  }
0x42: {  	_ =	shalt  }
0x43: {  	_ =	shalt  }
0x44: {  	_ =	shalt  }
0x45: {  	_ =	shalt  }
0x46: {  	_ =	shalt  }
0x47: {  	_ =	shalt  }
0x48: {  	_ =	shalt  }
0x49: {  	_ =	shalt  }
0x4a: {  	_ =	shalt  }
0x4b: {  	_ =	shalt  }
0x4c: {  	_ =	shalt  }
0x4d: {  	_ =	shalt  }
0x4e: {  	_ =	shalt  }
0x4f: {  	_ =	shalt  }
0x50: {  	_ =	shalt  }
0x51: {  	_ =	shalt  }
0x52: {  	_ =	shalt  }
0x53: {  	_ =	shalt  }
0x54: {  	_ =	shalt  }
0x55: {  	_ =	shalt  }
0x56: {  	_ =	shalt  }
0x57: {  	_ =	shalt  }
0x58: {  	_ =	shalt  }
0x59: {  	_ =	shalt  }
0x5a: {  	_ =	shalt  }
0x5b: {  	_ =	shalt  }
0x5c: {  	_ =	shalt  }
0x5d: {  	_ =	shalt  }
0x5e: {  	_ =	shalt  }
0x5f: {  	_ =	shalt  }
0x60: {  	_ =	shalt  }
0x61: {  	_ =	shalt  }
0x62: {  	_ =	shalt  }
0x63: {  	_ =	shalt  }
0x64: {  	_ =	shalt  }
0x65: {  	_ =	shalt  }
0x66: {  	_ =	shalt  }
0x67: {  	_ =	shalt  }
0x68: {  	_ =	shalt  }
0x69: {  	_ =	shalt  }
0x6a: {  	_ =	shalt  }
0x6b: {  	_ =	shalt  }
0x6c: {  	_ =	shalt  }
0x6d: {  	_ =	shalt  }
0x6e: {  	_ =	shalt  }
0x6f: {  	_ =	shalt  }
0x70: {  	_ =	shalt  }
0x71: {  	_ =	shalt  }
0x72: {  	_ =	shalt  }
0x73: {  	_ =	shalt  }
0x74: {  	_ =	shalt  }
0x75: {  	_ =	shalt  }
0x76: {  	_ =	shalt  }
0x77: {  	_ =	shalt  }
0x78: {  	_ =	shalt  }
0x79: {  	_ =	shalt  }
0x7a: {  	_ =	shalt  }
0x7b: {  	_ =	shalt  }
0x7c: {  	_ =	shalt  }
0x7d: {  	_ =	shalt  }
0x7e: {  	_ =	shalt  }
0x7f: {  	_ =	shalt  }
0x80: {  	_ =	shalt  }
0x81: {  	_ =	shalt  }
0x82: {  	_ =	shalt  }
0x83: {  	_ =	shalt  }
0x84: {  	_ =	shalt  }
0x85: {  	_ =	shalt  }
0x86: {  	_ =	shalt  }
0x87: {  	_ =	shalt  }
.Lfunc_end0:
.L_simem_size_0:
called_computation_lowered:
.L_overlay_start_0:
0x88: {  	s2 =	sld [smem:$0x3FD9]  }
0x89: {  	s3 =	sld [smem:$0x3FFE];
	_ =	sdelay $0x1  }
0x8a: {  	s1 =	srdreg.scid  }
0x8b: {  	s0 =	sand.u32 $0x1, s1  }
0x8c: {  	s16 =	sshll.u32 s0, $0xA;
	s2 =	sadd.s32 s3, s2  }
0x8d: {  	s2 =	sadd.s32 s2, s16  }
0x8e: {  	[smem:$0x3FC6] =	sst s2  }
0x8f: {  	_ = 	snop  }
0x90: {  	(tm) =	ssettm $0x1  }
0x91: {  	s17 =	sld [smem:$0x3FFB];
	_ =	sdelay $0x3  }
0x92: {  	_ =	strace s17  }
0x93: {  	s2 =	sld [smem:$0x3FFC];
	_ =	sdelay $0x3  }
0x94: {  	_ =	strace s2  }
0x95: {  	s2 =	sld [smem:$0x3FFD];
	_ =	sdelay $0x3  }
0x96: {  	_ =	strace s2  }
0x97: {  	_ =	strace $0x8FFFFFFF  }
0x98: {  	s18 =	sld [smem:$0x3FDB];
	_ =	sdelay $0x1  }
0x99: {  	s19 =	simm.s32 $_scs_section_size  }
0x9a: {  	s4 =	simm.s32 $_size__tile_overlayer_lowered;
	s5 =	simm.s32 $_tile_overlayer_lowered  }
0x9b: {  	s22 =	simm.s32 $0x1BFF;
	s21 =	sshll.u32 s5, $0x1;
	s2 =	sadd.s32 s19, s18  }
0x9c: {  	s6 =	simm.s32 $0x0;
	s20 =	sshll.u32 s4, $0x1;
	s4 =	sadd.s32 s21, s2  }
0x9d: {  	[timem:s6], [sflag:s22] =	dma.local [hbm:s4], s20  }
0x9e: {  	_ =	swait.ge [sflag:s22], s20  }
0x9f: {  	s3 =	ssub.s32 $0x0, s20;
	[sflag:s22] =	ssyncset.done $0x0  }
0xa0: {  	[sflag:s22] =	ssyncadd.s32 s3;
	_ =	sdelay $0x1  }
0xa1: {  	s23 =	simm.s32 $0x1B8B  }
0xa2: {  	_ =	swait.ge [sflag:s23], $0x1  }
0xa3: {  	[sflag:s23] =	ssyncset.done $0x0  }
0xa4: {  	s25 =	simm.s32 $0x1B8E;
	s24 =	sld [smem:$0x3FFE];
	[sflag:s23] =	ssyncadd.s32 $0xFFFFFFFF  }
0xa5: {  	s26 =	simm.s32 $execute0_lowered;
	[smem:$0x3FD2] =	sst s25  }
0xa6: {  	s4 =	sshll.u32 s26, $0x1;
	_ =	strace $0x80000046;
	[dreg:$0x1] =	wrdreg $0xFFFFFFFF  }
0xa7: {  	s28 =	simm.s32 $_size_execute0_lowered;
	s2 =	sadd.s32 s2, s4;
	[dreg:$0x0] =	wrdreg $0x0  }
0xa8: {  	s4 =	sshll.u32 s28, $0x1;
	[dreg:$0x2] =	wrdreg s2  }
0xa9: {  	[dreg:$0x3] =	wrdreg s4  }
0xaa: {  	[dreg:$0x4] =	wrdreg $0xC0  }
0xab: {  	_ =	task [dreg:s6], $0x5FFFF  }
0xac: {  	[dreg:$0x1] =	wrdreg $0xFFFFFFFF  }
0xad: {  	[dreg:$0x0] =	wrdreg $0x60  }
0xae: {  	[dreg:$0x2] =	wrdreg s24  }
0xaf: {  	[dreg:$0x3] =	wrdreg $0x9  }
0xb0: {  	_ =	task.clear_ibuf [dreg:s6], $0x4FFFF;
	_ =	strace $0x90000046  }
0xb1: {  	s29 =	simm.s32 $0x9;
	_ =	strace $0x80000048  }
0xb2: {  	_ =	swait.ge [sflag:s29], $0x1  }
0xb3: {  	[sflag:s29] =	ssyncadd.s32 $0xFFFFFFFF  }
0xb4: {  	_ =	strace $0x90000048  }
0xb5: {  	_ =	sfence  }
0xb6: {  	s30 =	sld [smem:$0x0];
	_ =	sdelay $0x2  }
0xb7: {  	s31 =	sshll.u32 s1, $0xD;
	s1 =	sshrl.u32 s1, $0x2  }
0xb8: {  	s3 =	sand.u32 $0x4000, s31;
	s1 =	sadd.s32 s1, s30  }
0xb9: {  	s0 =	sor.u32 s3, s0;
	s1 =	sshll.u32 s1, $0x11  }
0xba: {  	s0 =	sor.u32 s1, s0  }
0xbb: {  	s0 =	sadd.s32 $0x8F2B, s0  }
0xbc: {  	[sflag:s0] =	ssyncadd.remote.s32 $0x1  }
0xbd: {  	_ =	sfence.sel $0xFFFF  }
0xbe: {  	[dreg:$0x0] =	wrdreg $0xFFFFFFFF;
	(pc) =	sbr.abs _section_cstart, $3  }
0xbf: {  	[dreg:$0x1] =	wrdreg $0xFFFFFFFF  }
0xc0: {  	_ =	task.clear_ibuf [dreg:s6], $0x2FFFF;
	_ =	strace $0x9FFFFFFF  }
0xc1: {  	(tm) =	ssettm $0x7FFFFFFF  }
tec
execute0_lowered:
.L_overlay_start_1:
0x0: {  	(tag) =	ssettag $0x1  }
0x1: {  	s0 =	srdreg.scid  }
0x2: {  	s8 =	stileid.u32;
	s1 =	rddreg [dreg:$0x0];
	s28 =	simm.s32 $0xA10  }
0x3: {  	s29 =	simm.s32 $0x2A10;
	s0 =	sand.u32 $0x1, s0;
	s2 =	sshll.u32 s8, $0x1  }
0x4: {  	s30 =	simm.s32 $0x4A10;
	s31 =	simm.s32 $0x6A10;
	s3 =	sor.u32 s0, s2  }
0x5: {  	s5 =	sshll.u32 s8, $0xB;
	s26 =	sshll.u32 s8, $0x9;
	s4 =	sshll.u32 s3, $0x8  }
0x6: {  	s5 =	sand.u32 $0x7000, s5;
	s13 =	smul.u32 $0x140, s3;
	s4 =	sand.u32 $0x300, s4  }
0x7: {  	s2 =	simm.s32 $0x0;
	s6 =	ssub.s32 $0x2, s0;
	s4 =	sor.u32 s5, s4  }
0x8: {  	s0 =	sshll.u32 s0, $0x8;
	s5 =	sadd.s32 s13, s1;
	s4 =	sshll.u32 s4, $0x4  }
0x9: {  	[smem:$0x7FF] =	sst s2;
	s5 =	sadd.s32 $0x81000, s5;
	s4 =	sadd.s32 s4, s1  }
0xa: {  	_ =	strace $0x80000047;
	[dreg:$0x2] =	wrdreg s5;
	s15 =	sadd.s32 $0x1000, s4  }
0xb: {  	s3 =	sshll.u32 s3, $0x9;
	s16 =	sadd.s32 $0x5000, s4;
	[dreg:$0x3] =	wrdreg s15  }
0xc: {  	s7 =	sshrl.u32 s6, $0x1;
	s17 =	sadd.s32 $0x9000, s4;
	[dreg:$0x4] =	wrdreg s16  }
0xd: {  	s0 =	sor.u32 s0, s26;
	s18 =	sadd.s32 $0xD000, s4;
	[dreg:$0x5] =	wrdreg s17  }
0xe: {  	s26 =	simm.s32 $0x3;
	s19 =	sadd.s32 $0x1400, s4;
	[dreg:$0x6] =	wrdreg s18  }
0xf: {  	s14 =	ssub.s32 s6, s7;
	s20 =	sadd.s32 $0x5400, s4;
	[dreg:$0x7] =	wrdreg s19  }
0x10: {  	s6 =	simm.s32 $0x2;
	s21 =	sadd.s32 $0x9400, s4;
	[dreg:$0x8] =	wrdreg s20  }
0x11: {  	s7 =	simm.s32 $0x0;
	s22 =	sadd.s32 $0xD400, s4;
	[dreg:$0x9] =	wrdreg s21  }
0x12: {  	s1 =	sadd.s32 s3, s1;
	s23 =	sadd.s32 $0x1800, s4;
	[dreg:$0xa] =	wrdreg s22  }
0x13: {  	s3 =	simm.s32 $0xCA10;
	s24 =	sadd.s32 $0x5800, s4;
	[dreg:$0xb] =	wrdreg s23  }
0x14: {  	s5 =	simm.s32 $0x1;
	s25 =	sadd.s32 $0x9800, s4;
	[dreg:$0xc] =	wrdreg s24  }
0x15: {  	[dreg:$0xd] =	wrdreg s25;
	s15 =	sadd.s32 $0xD800, s4;
	s16 =	sadd.s32 $0x1C00, s4  }
0x16: {  	s17 =	sadd.s32 $0x5C00, s4;
	s18 =	sadd.s32 $0x9C00, s4;
	s19 =	sadd.s32 $0xDC00, s4  }
0x17: {  	s20 =	sand.u32 $0x300, s0;
	s21 =	sadd.s32 $0x83800, s1;
	s22 =	smax.u32 s14, $0x1  }
0x18: {  	s1 =	simm.s32 $0x8A10;
	s0 =	simm.s32 $0xAA10;
	s4 =	simm.s32 $0xEA10  }
0x19: {  	vm0 =	vcmask $0x3F28;
	vm1 =	vmmov $0x3ff;
	vm2 =	vcmask $0x3F2C;
	s23 =	sor.u32 $0x40, s20;
	s24 =	sor.u32 $0x80, s20;
	s25 =	sor.u32 $0xC0, s20  }
.LBB2_1:
0x1a: {  	s8 =	rddreg [dreg:$0x2]  }
0x1b: {  	[tilespmem:s2], [sflag:$0x3] =	stream.linear.gather [hbm4b:s8+s2], $0xA00, $0x38;
	[tilespmem:$0x11A10] =	vst v63  }
0x1c: {  	_ =	swait.ge [sflag:s26], $0xA00  }
0x1d: {  	[sflag:s26] =	ssyncset.done $0x0  }
0x1e: {  	s11 =	rddreg [dreg:$0x3];
	[sflag:s26] =	ssyncadd.s32 $0xFFFFF600  }
0x1f: {  	[tilespmem:s28], [sflag:$0x1] =	stream.linear.gather [hbm4b:s11+s2], $0x2000, $0x38;
	[tilespmem:$0x11A10] =	vst v63  }
0x20: {  	s12 =	rddreg [dreg:$0x4]  }
0x21: {  	[tilespmem:s29], [sflag:$0x1] =	stream.linear.gather [hbm4b:s12+s2], $0x2000, $0x38;
	[tilespmem:$0x11A10] =	vst v63  }
0x22: {  	s13 =	rddreg [dreg:$0x5]  }
0x23: {  	[tilespmem:s30], [sflag:$0x1] =	stream.linear.gather [hbm4b:s13+s2], $0x2000, $0x38;
	[tilespmem:$0x11A10] =	vst v63  }
0x24: {  	s14 =	rddreg [dreg:$0x6]  }
0x25: {  	[tilespmem:s31], [sflag:$0x1] =	stream.linear.gather [hbm4b:s14+s2], $0x2000, $0x38;
	[tilespmem:$0x11A10] =	vst v63  }
0x26: {  	s9 =	rddreg [dreg:$0x7]  }
0x27: {  	[tilespmem:s1], [sflag:$0x2] =	stream.linear.gather [hbm4b:s9+s2], $0x2000, $0x38;
	[tilespmem:$0x11A10] =	vst v63  }
0x28: {  	s10 =	rddreg [dreg:$0x8]  }
0x29: {  	[tilespmem:s0], [sflag:$0x2] =	stream.linear.gather [hbm4b:s10+s2], $0x2000, $0x38;
	[tilespmem:$0x11A10] =	vst v63  }
0x2a: {  	s11 =	rddreg [dreg:$0x9]  }
0x2b: {  	[tilespmem:s3], [sflag:$0x2] =	stream.linear.gather [hbm4b:s11+s2], $0x2000, $0x38;
	[tilespmem:$0x11A10] =	vst v63  }
0x2c: {  	s12 =	rddreg [dreg:$0xa]  }
0x2d: {  	[tilespmem:s4], [sflag:$0x2] =	stream.linear.gather [hbm4b:s12+s2], $0x2000, $0x38;
	[tilespmem:$0x11A10] =	vst v63  }
0x2e: {  	_ =	swait.ge [sflag:s5], $0x2000  }
0x2f: {  	[sflag:s5] =	ssyncset.done $0x0  }
0x30: {  	[sflag:s5] =	ssyncadd.s32 $0xFFFFE000  }
0x31: {  	_ =	swait.ge [sflag:s5], $0x2000  }
0x32: {  	[sflag:s5] =	ssyncset.done $0x0  }
0x33: {  	[sflag:s5] =	ssyncadd.s32 $0xFFFFE000  }
0x34: {  	_ =	swait.ge [sflag:s5], $0x2000  }
0x35: {  	[sflag:s5] =	ssyncset.done $0x0  }
0x36: {  	[sflag:s5] =	ssyncadd.s32 $0xFFFFE000  }
0x37: {  	_ =	swait.ge [sflag:s5], $0x2000  }
0x38: {  	[sflag:s5] =	ssyncset.done $0x0  }
0x39: {  	[sflag:s5] =	ssyncadd.s32 $0xFFFFE000  }
0x3a: {  	v0 =	vld [tilespmem:s2+$0x0];
	_ =	sdelay $0x4  }
0x3b: {  	v1 =	vshll.u32 v0, $0x7  }
0x3c: {  	v0 =	vshrl.u32 v0, $0x3;
	v1 =	vand.u32 $0x380, v1  }
0x3d: {  	s13 =	sadd.s32 $0x0, s20;
	v0 =	vor.u32 v0, v1  }
0x3e: {  	v0 =	vsel vm0, s13, v0  }
0x3f: {  	v1 =	vshrl.u32 v0, $0x2  }
0x40: {  	v1 =	vand.u32 $0x1FFFFC0, v1  }
0x41: {  	v1 =	vadd.s32 s2, v1  }
0x42: {  	v2 =	vand.u32 $0x7F, v0;
	v1 =	vshll.u32 v1, $0x7  }
0x43: {  	v1 =	vor.u32 v2, v1;
	_ =	sdelay $0x4  }
0x44: {  	v1 =	vld.idx.msk [tilespmem:v1+s28+$0x0], $0xffff;
	_ =	sdelay $0x2  }
0x45: {  	v2 =	vshrl.u32 v0, $0x3  }
0x46: {  	vm3 =	veq.s32 v0, s13;
	v2 =	vand.u32 $0x10, v2  }
0x47: {  	s14 =	sand.u32 $0xE00, s2;
	vm3 =	vmand vm3, vm1;
	v0 =	vshrl.u32 v1, v2  }
0x48: {  	s8 =	sshrl.u32 s14, $0x2;
	s9 =	sand.u32 $0x70, s2;
	vm3 =	vmor vm3, vm2;
	v0 =	vshll.u32 v0, $0x10  }
0x49: {  	s8 =	sor.u32 s9, s8;
	v0 =	vsel vm3, $0xFF800000, v0  }
0x4a: {  	s9 =	simm.s32 $0x0;
	s11 =	simm.s32 $0xA;
	[tilespmem:s8+$0x10A10] =	vst v0  }
0x4b: {  	s10 =	simm.s32 $0x1;
	s12 =	simm.s32 $0x2;
	s8 =	simm.s32 $0x0;
	v0 =	vld [tilespmem:s11+$0x0]  }
.LBB2_2:
0x4c: {  	p0 =	sne.s32 s12, $0x3F;
	_ =	sdelay $0x3  }
0x4d: {  	v1 =	vshll.u32 v0, $0x7  }
0x4e: {  	v0 =	vshrl.u32 v0, $0x3;
	v1 =	vand.u32 $0x380, v1  }
0x4f: {  	s13 =	sadd.s32 s10, s20;
	v0 =	vor.u32 v0, v1  }
0x50: {  	v0 =	vsel vm0, s13, v0  }
0x51: {  	v1 =	vshrl.u32 v0, $0x2  }
0x52: {  	v1 =	vand.u32 $0x1FFFFC0, v1  }
0x53: {  	v1 =	vadd.s32 s10, v1;
	s10 =	smov.u32 s12  }
0x54: {  	v2 =	vand.u32 $0x7F, v0;
	v1 =	vshll.u32 v1, $0x7  }
0x55: {  	v1 =	vor.u32 v2, v1;
	_ =	sdelay $0x4  }
0x56: {  	v1 =	vld.idx.msk [tilespmem:v1+s28+$0x0], $0xffff;
	_ =	sdelay $0x3  }
0x57: {  	v2 =	vshrl.u32 v0, $0x3  }
0x58: {  	s9 =	sadd.s32 $0x40, s9;
	vm3 =	veq.s32 v0, s13;
	v2 =	vand.u32 $0x10, v2  }
.Ltmp0:
0x59: {  	s8 =	sadd.s32 $0x10, s8;
	s13 =	sand.u32 $0xE00, s9;
	vm3 =	vmand vm3, vm1;
	v0 =	vshrl.u32 v1, v2;
	(pc) =	sbr.rel @p0 .LBB2_2-.Ltmp0, $4  }
0x5a: {  	s14 =	sand.u32 $0x70, s8;
	s13 =	sshrl.u32 s13, $0x2;
	vm3 =	vmor vm3, vm2;
	v0 =	vshll.u32 v0, $0x10  }
0x5b: {  	s13 =	sor.u32 s14, s13;
	v0 =	vsel vm3, $0xFF800000, v0  }
0x5c: {  	s11 =	sadd.s32 $0xA, s11;
	[tilespmem:s13+$0x10A10] =	vst v0  }
0x5d: {  	s12 =	sadd.s32 $0x1, s12;
	v0 =	vld [tilespmem:s11+$0x0]  }
0x5e: {  	_ =	sdelay $0x3  }
0x5f: {  	v1 =	vshll.u32 v0, $0x7  }
0x60: {  	v0 =	vshrl.u32 v0, $0x3;
	v1 =	vand.u32 $0x380, v1  }
0x61: {  	s11 =	sadd.s32 s10, s20;
	v0 =	vor.u32 v0, v1  }
0x62: {  	v0 =	vsel vm0, s11, v0  }
0x63: {  	v1 =	vshrl.u32 v0, $0x2  }
0x64: {  	v1 =	vand.u32 $0x1FFFFC0, v1  }
0x65: {  	v1 =	vadd.s32 s10, v1  }
0x66: {  	v2 =	vand.u32 $0x7F, v0;
	v1 =	vshll.u32 v1, $0x7  }
0x67: {  	v1 =	vor.u32 v2, v1;
	_ =	sdelay $0x4  }
0x68: {  	v1 =	vld.idx.msk [tilespmem:v1+s28+$0x0], $0xffff;
	_ =	sdelay $0x2  }
0x69: {  	v2 =	vshrl.u32 v0, $0x3  }
0x6a: {  	s9 =	sadd.s32 $0x40, s9;
	vm3 =	veq.s32 v0, s11;
	v2 =	vand.u32 $0x10, v2  }
0x6b: {  	s8 =	sadd.s32 $0x10, s8;
	s9 =	sand.u32 $0xE00, s9;
	vm3 =	vmand vm3, vm1;
	v0 =	vshrl.u32 v1, v2  }
0x6c: {  	s8 =	sand.u32 $0x70, s8;
	s9 =	sshrl.u32 s9, $0x2;
	vm3 =	vmor vm3, vm2;
	v0 =	vshll.u32 v0, $0x10  }
0x6d: {  	s8 =	sor.u32 s8, s9;
	v0 =	vsel vm3, $0xFF800000, v0  }
0x6e: {  	s12 =	rddreg [dreg:$0xb];
	[tilespmem:s8+$0x10A10] =	vst v0;
	s8 =	simm.s32 $0x0  }
0x6f: {  	[tilespmem:s28], [sflag:$0x1] =	stream.linear.gather [hbm4b:s12+s8], $0x2000, $0x38;
	[tilespmem:$0x11A10] =	vst v63  }
0x70: {  	s13 =	rddreg [dreg:$0xc]  }
0x71: {  	[tilespmem:s29], [sflag:$0x1] =	stream.linear.gather [hbm4b:s13+s8], $0x2000, $0x38;
	[tilespmem:$0x11A10] =	vst v63  }
0x72: {  	s14 =	rddreg [dreg:$0xd]  }
0x73: {  	[tilespmem:s30], [sflag:$0x1] =	stream.linear.gather [hbm4b:s14+s8], $0x2000, $0x38;
	[tilespmem:$0x11A10] =	vst v63  }
0x74: {  	_ = 	snop  }
0x75: {  	[tilespmem:s31], [sflag:$0x1] =	stream.linear.gather [hbm4b:s15+s8], $0x2000, $0x38;
	[tilespmem:$0x11A10] =	vst v63  }
0x76: {  	_ =	swait.ge [sflag:s6], $0x2000  }
0x77: {  	[sflag:s6] =	ssyncset.done $0x0  }
0x78: {  	[sflag:s6] =	ssyncadd.s32 $0xFFFFE000  }
0x79: {  	_ =	swait.ge [sflag:s6], $0x2000  }
0x7a: {  	[sflag:s6] =	ssyncset.done $0x0  }
0x7b: {  	[sflag:s6] =	ssyncadd.s32 $0xFFFFE000  }
0x7c: {  	_ =	swait.ge [sflag:s6], $0x2000  }
0x7d: {  	[sflag:s6] =	ssyncset.done $0x0  }
0x7e: {  	[sflag:s6] =	ssyncadd.s32 $0xFFFFE000  }
0x7f: {  	_ =	swait.ge [sflag:s6], $0x2000  }
0x80: {  	[sflag:s6] =	ssyncset.done $0x0  }
0x81: {  	s10 =	simm.s32 $0x280;
	[sflag:s6] =	ssyncadd.s32 $0xFFFFE000  }
0x82: {  	v0 =	vld [tilespmem:s10+$0x0];
	_ =	sdelay $0x4  }
0x83: {  	v1 =	vshll.u32 v0, $0x7  }
0x84: {  	v0 =	vshrl.u32 v0, $0x3;
	v1 =	vand.u32 $0x380, v1  }
0x85: {  	s11 =	sadd.s32 $0x0, s23;
	v0 =	vor.u32 v0, v1  }
0x86: {  	v0 =	vsel vm0, s11, v0  }
0x87: {  	v1 =	vshrl.u32 v0, $0x2  }
0x88: {  	v1 =	vand.u32 $0x1FFFFC0, v1  }
0x89: {  	v1 =	vadd.s32 s8, v1  }
0x8a: {  	v2 =	vand.u32 $0x7F, v0;
	v1 =	vshll.u32 v1, $0x7  }
0x8b: {  	v1 =	vor.u32 v2, v1;
	_ =	sdelay $0x4  }
0x8c: {  	v1 =	vld.idx.msk [tilespmem:v1+s1+$0x0], $0xffff;
	_ =	sdelay $0x2  }
0x8d: {  	v2 =	vshrl.u32 v0, $0x3  }
0x8e: {  	s12 =	simm.s32 $0x1000;
	vm3 =	veq.s32 v0, s11;
	v2 =	vand.u32 $0x10, v2  }
0x8f: {  	s13 =	sand.u32 $0x1E00, s12;
	vm3 =	vmand vm3, vm1;
	v0 =	vshrl.u32 v1, v2  }
0x90: {  	s9 =	sshrl.u32 s13, $0x2;
	s14 =	sand.u32 $0x70, s8;
	vm3 =	vmor vm3, vm2;
	v0 =	vshll.u32 v0, $0x10  }
0x91: {  	s9 =	sor.u32 s14, s9;
	v0 =	vsel vm3, $0xFF800000, v0  }
0x92: {  	s11 =	simm.s32 $0x28A;
	[tilespmem:s9+$0x10A10] =	vst v0  }
0x93: {  	s12 =	simm.s32 $0x1080;
	s10 =	simm.s32 $0x1040;
	s9 =	simm.s32 $0x0;
	v0 =	vld [tilespmem:s11+$0x0]  }
.LBB2_4:
0x94: {  	p0 =	sne.s32 s12, $0x1FC0;
	_ =	sdelay $0x3  }
0x95: {  	v1 =	vshll.u32 v0, $0x7  }
0x96: {  	s8 =	sadd.s32 $0x1, s8;
	v0 =	vshrl.u32 v0, $0x3;
	v1 =	vand.u32 $0x380, v1  }
0x97: {  	s13 =	sadd.s32 s8, s23;
	v0 =	vor.u32 v0, v1  }
0x98: {  	v0 =	vsel vm0, s13, v0  }
0x99: {  	v1 =	vshrl.u32 v0, $0x2  }
0x9a: {  	v1 =	vand.u32 $0x1FFFFC0, v1  }
0x9b: {  	v1 =	vadd.s32 s8, v1  }
0x9c: {  	v2 =	vand.u32 $0x7F, v0;
	v1 =	vshll.u32 v1, $0x7  }
0x9d: {  	v1 =	vor.u32 v2, v1;
	_ =	sdelay $0x4  }
0x9e: {  	v1 =	vld.idx.msk [tilespmem:v1+s1+$0x0], $0xffff;
	_ =	sdelay $0x3  }
0x9f: {  	v2 =	vshrl.u32 v0, $0x3  }
0xa0: {  	vm3 =	veq.s32 v0, s13;
	v2 =	vand.u32 $0x10, v2  }
.Ltmp1:
0xa1: {  	s10 =	sand.u32 $0x1E00, s10;
	s9 =	sadd.s32 $0x10, s9;
	vm3 =	vmand vm3, vm1;
	v0 =	vshrl.u32 v1, v2;
	(pc) =	sbr.rel @p0 .LBB2_4-.Ltmp1, $4  }
0xa2: {  	s14 =	sshrl.u32 s10, $0x2;
	s10 =	smov.u32 s12;
	s13 =	sand.u32 $0x70, s9;
	vm3 =	vmor vm3, vm2;
	v0 =	vshll.u32 v0, $0x10  }
0xa3: {  	s13 =	sor.u32 s13, s14;
	v0 =	vsel vm3, $0xFF800000, v0  }
0xa4: {  	s11 =	sadd.s32 $0xA, s11;
	[tilespmem:s13+$0x10A10] =	vst v0  }
0xa5: {  	s12 =	sadd.s32 $0x40, s12;
	v0 =	vld [tilespmem:s11+$0x0]  }
0xa6: {  	_ =	sdelay $0x3  }
0xa7: {  	v1 =	vshll.u32 v0, $0x7  }
0xa8: {  	s8 =	sadd.s32 $0x1, s8;
	v0 =	vshrl.u32 v0, $0x3;
	v1 =	vand.u32 $0x380, v1  }
0xa9: {  	s11 =	sadd.s32 s8, s23;
	v0 =	vor.u32 v0, v1  }
0xaa: {  	v0 =	vsel vm0, s11, v0  }
0xab: {  	v1 =	vshrl.u32 v0, $0x2  }
0xac: {  	v1 =	vand.u32 $0x1FFFFC0, v1  }
0xad: {  	v1 =	vadd.s32 s8, v1  }
0xae: {  	v2 =	vand.u32 $0x7F, v0;
	v1 =	vshll.u32 v1, $0x7  }
0xaf: {  	v1 =	vor.u32 v2, v1;
	_ =	sdelay $0x4  }
0xb0: {  	v1 =	vld.idx.msk [tilespmem:v1+s1+$0x0], $0xffff;
	_ =	sdelay $0x2  }
0xb1: {  	v2 =	vshrl.u32 v0, $0x3  }
0xb2: {  	vm3 =	veq.s32 v0, s11;
	v2 =	vand.u32 $0x10, v2  }
0xb3: {  	s14 =	sand.u32 $0x1E00, s10;
	s9 =	sadd.s32 $0x10, s9;
	vm3 =	vmand vm3, vm1;
	v0 =	vshrl.u32 v1, v2  }
0xb4: {  	s9 =	sand.u32 $0x70, s9;
	vm3 =	vmor vm3, vm2;
	s8 =	sshrl.u32 s14, $0x2;
	v0 =	vshll.u32 v0, $0x10  }
0xb5: {  	s8 =	sor.u32 s9, s8;
	v0 =	vsel vm3, $0xFF800000, v0  }
0xb6: {  	[tilespmem:s8+$0x10A10] =	vst v0;
	s8 =	simm.s32 $0x0  }
0xb7: {  	[tilespmem:s1], [sflag:$0x2] =	stream.linear.gather [hbm4b:s16+s8], $0x2000, $0x38;
	[tilespmem:$0x11A10] =	vst v63  }
0xb8: {  	_ = 	snop  }
0xb9: {  	[tilespmem:s0], [sflag:$0x2] =	stream.linear.gather [hbm4b:s17+s8], $0x2000, $0x38;
	[tilespmem:$0x11A10] =	vst v63  }
0xba: {  	_ = 	snop  }
0xbb: {  	[tilespmem:s3], [sflag:$0x2] =	stream.linear.gather [hbm4b:s18+s8], $0x2000, $0x38;
	[tilespmem:$0x11A10] =	vst v63  }
0xbc: {  	_ = 	snop  }
0xbd: {  	[tilespmem:s4], [sflag:$0x2] =	stream.linear.gather [hbm4b:s19+s8], $0x2000, $0x38;
	[tilespmem:$0x11A10] =	vst v63  }
0xbe: {  	_ =	swait.ge [sflag:s5], $0x2000  }
0xbf: {  	[sflag:s5] =	ssyncset.done $0x0  }
0xc0: {  	[sflag:s5] =	ssyncadd.s32 $0xFFFFE000  }
0xc1: {  	_ =	swait.ge [sflag:s5], $0x2000  }
0xc2: {  	[sflag:s5] =	ssyncset.done $0x0  }
0xc3: {  	[sflag:s5] =	ssyncadd.s32 $0xFFFFE000  }
0xc4: {  	_ =	swait.ge [sflag:s5], $0x2000  }
0xc5: {  	[sflag:s5] =	ssyncset.done $0x0  }
0xc6: {  	[sflag:s5] =	ssyncadd.s32 $0xFFFFE000  }
0xc7: {  	_ =	swait.ge [sflag:s5], $0x2000  }
0xc8: {  	[sflag:s5] =	ssyncset.done $0x0  }
0xc9: {  	s10 =	simm.s32 $0x500;
	[sflag:s5] =	ssyncadd.s32 $0xFFFFE000  }
0xca: {  	v0 =	vld [tilespmem:s10+$0x0];
	_ =	sdelay $0x4  }
0xcb: {  	v1 =	vshll.u32 v0, $0x7  }
0xcc: {  	v0 =	vshrl.u32 v0, $0x3;
	v1 =	vand.u32 $0x380, v1  }
0xcd: {  	s11 =	sadd.s32 $0x0, s24;
	v0 =	vor.u32 v0, v1  }
0xce: {  	v0 =	vsel vm0, s11, v0  }
0xcf: {  	v1 =	vshrl.u32 v0, $0x2  }
0xd0: {  	v1 =	vand.u32 $0x1FFFFC0, v1  }
0xd1: {  	v1 =	vadd.s32 s8, v1  }
0xd2: {  	v2 =	vand.u32 $0x7F, v0;
	v1 =	vshll.u32 v1, $0x7  }
0xd3: {  	v1 =	vor.u32 v2, v1;
	_ =	sdelay $0x4  }
0xd4: {  	v1 =	vld.idx.msk [tilespmem:v1+s28+$0x0], $0xffff;
	_ =	sdelay $0x2  }
0xd5: {  	v2 =	vshrl.u32 v0, $0x3  }
0xd6: {  	s12 =	simm.s32 $0x2000;
	vm3 =	veq.s32 v0, s11;
	v2 =	vand.u32 $0x10, v2  }
0xd7: {  	s13 =	sand.u32 $0x2E00, s12;
	vm3 =	vmand vm3, vm1;
	v0 =	vshrl.u32 v1, v2  }
0xd8: {  	s9 =	sshrl.u32 s13, $0x2;
	s14 =	sand.u32 $0x70, s8;
	vm3 =	vmor vm3, vm2;
	v0 =	vshll.u32 v0, $0x10  }
0xd9: {  	s9 =	sor.u32 s14, s9;
	v0 =	vsel vm3, $0xFF800000, v0  }
0xda: {  	s11 =	simm.s32 $0x50A;
	[tilespmem:s9+$0x10A10] =	vst v0  }
0xdb: {  	s12 =	simm.s32 $0x2080;
	s10 =	simm.s32 $0x2040;
	s9 =	simm.s32 $0x0;
	v0 =	vld [tilespmem:s11+$0x0]  }
.LBB2_6:
0xdc: {  	p0 =	sne.s32 s12, $0x2FC0;
	_ =	sdelay $0x3  }
0xdd: {  	v1 =	vshll.u32 v0, $0x7  }
0xde: {  	s8 =	sadd.s32 $0x1, s8;
	v0 =	vshrl.u32 v0, $0x3;
	v1 =	vand.u32 $0x380, v1  }
0xdf: {  	s13 =	sadd.s32 s8, s24;
	v0 =	vor.u32 v0, v1  }
0xe0: {  	v0 =	vsel vm0, s13, v0  }
0xe1: {  	v1 =	vshrl.u32 v0, $0x2  }
0xe2: {  	v1 =	vand.u32 $0x1FFFFC0, v1  }
0xe3: {  	v1 =	vadd.s32 s8, v1  }
0xe4: {  	v2 =	vand.u32 $0x7F, v0;
	v1 =	vshll.u32 v1, $0x7  }
0xe5: {  	v1 =	vor.u32 v2, v1;
	_ =	sdelay $0x4  }
0xe6: {  	v1 =	vld.idx.msk [tilespmem:v1+s28+$0x0], $0xffff;
	_ =	sdelay $0x3  }
0xe7: {  	v2 =	vshrl.u32 v0, $0x3  }
0xe8: {  	vm3 =	veq.s32 v0, s13;
	v2 =	vand.u32 $0x10, v2  }
.Ltmp2:
0xe9: {  	s10 =	sand.u32 $0x2E00, s10;
	s9 =	sadd.s32 $0x10, s9;
	vm3 =	vmand vm3, vm1;
	v0 =	vshrl.u32 v1, v2;
	(pc) =	sbr.rel @p0 .LBB2_6-.Ltmp2, $4  }
0xea: {  	s14 =	sshrl.u32 s10, $0x2;
	s10 =	smov.u32 s12;
	s13 =	sand.u32 $0x70, s9;
	vm3 =	vmor vm3, vm2;
	v0 =	vshll.u32 v0, $0x10  }
0xeb: {  	s13 =	sor.u32 s13, s14;
	v0 =	vsel vm3, $0xFF800000, v0  }
0xec: {  	s11 =	sadd.s32 $0xA, s11;
	[tilespmem:s13+$0x10A10] =	vst v0  }
0xed: {  	s12 =	sadd.s32 $0x40, s12;
	v0 =	vld [tilespmem:s11+$0x0]  }
0xee: {  	_ =	sdelay $0x3  }
0xef: {  	v1 =	vshll.u32 v0, $0x7  }
0xf0: {  	s8 =	sadd.s32 $0x1, s8;
	v0 =	vshrl.u32 v0, $0x3;
	v1 =	vand.u32 $0x380, v1  }
0xf1: {  	s11 =	sadd.s32 s8, s24;
	v0 =	vor.u32 v0, v1  }
0xf2: {  	v0 =	vsel vm0, s11, v0  }
0xf3: {  	v1 =	vshrl.u32 v0, $0x2  }
0xf4: {  	v1 =	vand.u32 $0x1FFFFC0, v1  }
0xf5: {  	v1 =	vadd.s32 s8, v1  }
0xf6: {  	v2 =	vand.u32 $0x7F, v0;
	v1 =	vshll.u32 v1, $0x7  }
0xf7: {  	v1 =	vor.u32 v2, v1;
	_ =	sdelay $0x4  }
0xf8: {  	v1 =	vld.idx.msk [tilespmem:v1+s28+$0x0], $0xffff;
	_ =	sdelay $0x2  }
0xf9: {  	v2 =	vshrl.u32 v0, $0x3  }
0xfa: {  	vm3 =	veq.s32 v0, s11;
	v2 =	vand.u32 $0x10, v2  }
0xfb: {  	s14 =	sand.u32 $0x2E00, s10;
	s9 =	sadd.s32 $0x10, s9;
	vm3 =	vmand vm3, vm1;
	v0 =	vshrl.u32 v1, v2  }
0xfc: {  	s9 =	sand.u32 $0x70, s9;
	vm3 =	vmor vm3, vm2;
	s8 =	sshrl.u32 s14, $0x2;
	v0 =	vshll.u32 v0, $0x10  }
0xfd: {  	s8 =	sor.u32 s9, s8;
	v0 =	vsel vm3, $0xFF800000, v0  }
0xfe: {  	[tilespmem:s8+$0x10A10] =	vst v0  }
0xff: {  	_ =	swait.ge [sflag:s6], $0x2000  }
0x100: {  	[sflag:s6] =	ssyncset.done $0x0  }
0x101: {  	[sflag:s6] =	ssyncadd.s32 $0xFFFFE000  }
0x102: {  	_ =	swait.ge [sflag:s6], $0x2000  }
0x103: {  	[sflag:s6] =	ssyncset.done $0x0  }
0x104: {  	[sflag:s6] =	ssyncadd.s32 $0xFFFFE000  }
0x105: {  	_ =	swait.ge [sflag:s6], $0x2000  }
0x106: {  	[sflag:s6] =	ssyncset.done $0x0  }
0x107: {  	[sflag:s6] =	ssyncadd.s32 $0xFFFFE000  }
0x108: {  	_ =	swait.ge [sflag:s6], $0x2000  }
0x109: {  	[sflag:s6] =	ssyncset.done $0x0  }
0x10a: {  	s10 =	simm.s32 $0x780;
	[sflag:s6] =	ssyncadd.s32 $0xFFFFE000  }
0x10b: {  	v0 =	vld [tilespmem:s10+$0x0];
	_ =	sdelay $0x4  }
0x10c: {  	v1 =	vshll.u32 v0, $0x7  }
0x10d: {  	v0 =	vshrl.u32 v0, $0x3;
	v1 =	vand.u32 $0x380, v1  }
0x10e: {  	s11 =	sadd.s32 $0x0, s25;
	v0 =	vor.u32 v0, v1  }
0x10f: {  	v0 =	vsel vm0, s11, v0  }
0x110: {  	v1 =	vshrl.u32 v0, $0x2  }
0x111: {  	s8 =	simm.s32 $0x0;
	v1 =	vand.u32 $0x1FFFFC0, v1  }
0x112: {  	v1 =	vadd.s32 s8, v1  }
0x113: {  	v2 =	vand.u32 $0x7F, v0;
	v1 =	vshll.u32 v1, $0x7  }
0x114: {  	v1 =	vor.u32 v2, v1;
	_ =	sdelay $0x4  }
0x115: {  	v1 =	vld.idx.msk [tilespmem:v1+s1+$0x0], $0xffff;
	_ =	sdelay $0x2  }
0x116: {  	v2 =	vshrl.u32 v0, $0x3  }
0x117: {  	s12 =	simm.s32 $0x3000;
	vm3 =	veq.s32 v0, s11;
	v2 =	vand.u32 $0x10, v2  }
0x118: {  	s13 =	sand.u32 $0x3E00, s12;
	vm3 =	vmand vm3, vm1;
	v0 =	vshrl.u32 v1, v2  }
0x119: {  	s9 =	sshrl.u32 s13, $0x2;
	s14 =	sand.u32 $0x70, s8;
	vm3 =	vmor vm3, vm2;
	v0 =	vshll.u32 v0, $0x10  }
0x11a: {  	s9 =	sor.u32 s14, s9;
	v0 =	vsel vm3, $0xFF800000, v0  }
0x11b: {  	s11 =	simm.s32 $0x78A;
	[tilespmem:s9+$0x10A10] =	vst v0  }
0x11c: {  	s12 =	simm.s32 $0x3080;
	s10 =	simm.s32 $0x3040;
	s9 =	simm.s32 $0x0;
	v0 =	vld [tilespmem:s11+$0x0]  }
.LBB2_8:
0x11d: {  	p0 =	sne.s32 s12, $0x3FC0;
	_ =	sdelay $0x3  }
0x11e: {  	v1 =	vshll.u32 v0, $0x7  }
0x11f: {  	s8 =	sadd.s32 $0x1, s8;
	v0 =	vshrl.u32 v0, $0x3;
	v1 =	vand.u32 $0x380, v1  }
0x120: {  	s13 =	sadd.s32 s8, s25;
	v0 =	vor.u32 v0, v1  }
0x121: {  	v0 =	vsel vm0, s13, v0  }
0x122: {  	v1 =	vshrl.u32 v0, $0x2  }
0x123: {  	v1 =	vand.u32 $0x1FFFFC0, v1  }
0x124: {  	v1 =	vadd.s32 s8, v1  }
0x125: {  	v2 =	vand.u32 $0x7F, v0;
	v1 =	vshll.u32 v1, $0x7  }
0x126: {  	v1 =	vor.u32 v2, v1;
	_ =	sdelay $0x4  }
0x127: {  	v1 =	vld.idx.msk [tilespmem:v1+s1+$0x0], $0xffff;
	_ =	sdelay $0x3  }
0x128: {  	v2 =	vshrl.u32 v0, $0x3  }
0x129: {  	vm3 =	veq.s32 v0, s13;
	v2 =	vand.u32 $0x10, v2  }
.Ltmp3:
0x12a: {  	s10 =	sand.u32 $0x3E00, s10;
	s9 =	sadd.s32 $0x10, s9;
	vm3 =	vmand vm3, vm1;
	v0 =	vshrl.u32 v1, v2;
	(pc) =	sbr.rel @p0 .LBB2_8-.Ltmp3, $4  }
0x12b: {  	s14 =	sshrl.u32 s10, $0x2;
	s10 =	smov.u32 s12;
	s13 =	sand.u32 $0x70, s9;
	vm3 =	vmor vm3, vm2;
	v0 =	vshll.u32 v0, $0x10  }
0x12c: {  	s13 =	sor.u32 s13, s14;
	v0 =	vsel vm3, $0xFF800000, v0  }
0x12d: {  	s11 =	sadd.s32 $0xA, s11;
	[tilespmem:s13+$0x10A10] =	vst v0  }
0x12e: {  	s12 =	sadd.s32 $0x40, s12;
	v0 =	vld [tilespmem:s11+$0x0]  }
0x12f: {  	_ =	sdelay $0x3  }
0x130: {  	v1 =	vshll.u32 v0, $0x7  }
0x131: {  	s8 =	sadd.s32 $0x1, s8;
	v60 =	vshrl.u32 v0, $0x3;
	v1 =	vand.u32 $0x380, v1  }
0x132: {  	s11 =	sadd.s32 s8, s25;
	v0 =	vor.u32 v60, v1  }
0x133: {  	v0 =	vsel vm0, s11, v0  }
0x134: {  	v61 =	vshrl.u32 v0, $0x2  }
0x135: {  	v1 =	vand.u32 $0x1FFFFC0, v61  }
0x136: {  	v1 =	vadd.s32 s8, v1  }
0x137: {  	v2 =	vand.u32 $0x7F, v0;
	v1 =	vshll.u32 v1, $0x7  }
0x138: {  	v1 =	vor.u32 v2, v1;
	_ =	sdelay $0x4  }
0x139: {  	v1 =	vld.idx.msk [tilespmem:v1+s1+$0x0], $0xffff;
	_ =	sdelay $0x2  }
0x13a: {  	v62 =	vshrl.u32 v0, $0x3  }
0x13b: {  	vm3 =	veq.s32 v0, s11;
	v2 =	vand.u32 $0x10, v62  }
0x13c: {  	s13 =	sand.u32 $0x3E00, s10;
	s9 =	sadd.s32 $0x10, s9;
	vm3 =	vmand vm3, vm1;
	v63 =	vshrl.u32 v1, v2  }
0x13d: {  	s7 =	sadd.s32 $0x1, s7;
	s9 =	sand.u32 $0x70, s9;
	vm3 =	vmor vm3, vm2;
	s8 =	sshrl.u32 s13, $0x2;
	v0 =	vshll.u32 v63, $0x10  }
0x13e: {  	p0 =	sne.s32 s7, s22;
	s8 =	sor.u32 s9, s8;
	v0 =	vsel vm3, $0xFF800000, v0  }
.Ltmp4:
0x13f: {  	s14 =	simm.s32 $0x10A10;
	[tilespmem:s8+$0x10A10] =	vst v0;
	(pc) =	sbr.rel @p0 .LBB2_1-.Ltmp4, $4  }
0x140: {  	[hbm4b:s21+s2] =	stream.linear.scatter [tilespmem:s14], [sflag:$0x3], $0x1000, $0x38;
	[tilespmem:$0x11A10] =	vst v63  }
0x141: {  	_ =	swait.ge [sflag:s26], $0x1000  }
0x142: {  	[sflag:s26] =	ssyncset.done $0x0  }
0x143: {  	[sflag:s26] =	ssyncadd.s32 $0xFFFFF000  }
0x144: {  	_ =	sfence.sel $0x180000  }
0x145: {  	[bflag:$0x0] =	sbarrier.arrive $0xFFFF  }
0x146: {  	_ =	strace $0x90000047  }
0x147: {  	s0 =	stileid.u32;
	[bflag:$0x2] =	sbarrier.arrive $0xFFFF  }
0x148: {  	p0 =	sne.s32 s0, $0x0;
	s0 =	rddreg [dreg:$0x1]  }
0x149: {  	s0 =	sadd.s32 @!p0 $0x100000, s0  }
0x14a: {  	[sflag:s0] =	ssyncadd.tile.s32 @!p0 $0x1;
	_ =	shalt  }
.Lfunc_end2:
_tile_overlayer_lowered:
.L_overlay_start_2:
0x14b: {  	(tag) =	ssettag $0x2  }
0x14c: {  	s0 =	rddreg [dreg:$0x0];
	s2 =	stileid.u32  }
0x14d: {  	s1 =	rddreg [dreg:$0x1];
	p0 =	sne.s32 s2, $0x0  }
0x14e: {  	s3 =	rddreg [dreg:$0x2];
	[bflag:$0x3] =	sbarrier.arrive $0xFFFF;
	s2 =	simm.s32 @!p0 $0x1C03  }
0x14f: {  	[timem:s3], [sflag:s2] =	dma.local @!p0 [hbm:s0], s1  }
0x150: {  	s0 =	simm.s32 @!p0 $0x3  }
0x151: {  	_ =	swait.ge @!p0 [sflag:s0], s1  }
0x152: {  	s1 =	ssub.s32 @!p0 $0x0, s1;
	[sflag:s0] =	ssyncset.done @!p0 $0x0  }
0x153: {  	[sflag:s0] =	ssyncadd.s32 @!p0 s1  }
0x154: {  	[bflag:$0x3] =	sbarrier.arrive $0xFFFF  }
0x155: {  	_ =	shalt  }

</sc_bundles>
